<compile_context>
chip_gen: v7x
topology: tpu7x:2x2x1
jax: 0.10.2.dev20260603
libtpu: 0.0.44.dev20260713+nightly
codegen_flags: <defaults>
</compile_context>

<pallas_src>
import functools

import jax
import jax.numpy as jnp
from jax import lax
from jax.experimental import pallas as pl
from jax.experimental.pallas import tpu as pltpu
from jax.experimental.pallas import tpu_sc as plsc

NC = 2
NS = 16
NW = NC * NS
L = 16

F32 = jnp.float32


def _tables_body(x_ref, wa_ref, wb_ref, be1_ref, xa_ref, xb_ref):
    x = x_ref[...]
    xa_ref[...] = jnp.dot(x, wa_ref[...], preferred_element_type=F32)
    xb_ref[...] = jnp.dot(x, wb_ref[...], preferred_element_type=F32) + be1_ref[...]


def _make_tables(n, d, h, bn):
    grid = (n // bn,)
    return pl.pallas_call(
        _tables_body,
        grid=grid,
        in_specs=[
            pl.BlockSpec((bn, d), lambda i: (i, 0)),
            pl.BlockSpec((d, h), lambda i: (0, 0)),
            pl.BlockSpec((d, h), lambda i: (0, 0)),
            pl.BlockSpec((1, h), lambda i: (0, 0)),
        ],
        out_specs=[
            pl.BlockSpec((bn, h), lambda i: (i, 0)),
            pl.BlockSpec((bn, h), lambda i: (i, 0)),
        ],
        out_shape=[
            jax.ShapeDtypeStruct((n, h), F32),
            jax.ShapeDtypeStruct((n, h), F32),
        ],
    )


def _gather_body(e, h, k, xa_hbm, xb_hbm, row_hbm, col_hbm, g_hbm,
                 idxa, idxb, ra, rb, sg0, sg1, sw0, sw1):
    epw = e // NW
    nch = epw // k
    wid = lax.axis_index("s") * NC + lax.axis_index("c")
    base = wid * epw
    sg = (sg0, sg1)
    sw = (sw0, sw1)

    pltpu.sync_copy(row_hbm.at[pl.ds(base, epw)], idxa)
    pltpu.sync_copy(col_hbm.at[pl.ds(base, epw)], idxb)

    def start(j, b):
        sl = pl.ds(j * k, k)
        pltpu.async_copy(xa_hbm.at[idxa.at[sl]], ra.at[b], sg[b])
        pltpu.async_copy(xb_hbm.at[idxb.at[sl]], rb.at[b], sg[b])

    def wait_gathers(b):
        d = pltpu.make_async_copy(xa_hbm.at[idxa.at[pl.ds(0, k)]], ra.at[b], sg[b])
        d.wait()
        d.wait()

    def wait_write(b):
        pltpu.make_async_copy(rb.at[b], g_hbm.at[pl.ds(base, k)], sw[b]).wait()

    start(0, 0)

    def outer(io, carry):
        for b in (0, 1):
            j = io * 2 + b

            @pl.when(j < nch)
            def _():
                @pl.when(j >= 1)
                def _():
                    wait_write(1 - b)

                @pl.when(j + 1 < nch)
                def _():
                    start(j + 1, 1 - b)

                wait_gathers(b)

                def addrow(i, c2):
                    def addvec(v, c3):
                        plsc.addupdate(rb.at[b, i, pl.ds(v * L, L)],
                                       ra[b, i, pl.ds(v * L, L)])
                        return c3
                    return lax.fori_loop(0, h // L, addvec, c2)

                lax.fori_loop(0, k, addrow, 0)
                pltpu.async_copy(rb.at[b], g_hbm.at[pl.ds(base + j * k, k)], sw[b])
        return carry

    lax.fori_loop(0, (nch + 1) // 2, outer, 0)
    wait_write((nch - 1) % 2)


def _make_gather(n, e, h, k):
    mesh = plsc.VectorSubcoreMesh(core_axis_name="c", subcore_axis_name="s")
    epw = e // NW
    return pl.kernel(
        functools.partial(_gather_body, e, h, k),
        out_type=jax.ShapeDtypeStruct((e, h), F32),
        mesh=mesh,
        scratch_types=[
            pltpu.VMEM((epw,), jnp.int32),
            pltpu.VMEM((epw,), jnp.int32),
            pltpu.VMEM((2, k, h), F32),
            pltpu.VMEM((2, k, h), F32),
            pltpu.SemaphoreType.DMA,
            pltpu.SemaphoreType.DMA,
            pltpu.SemaphoreType.DMA,
            pltpu.SemaphoreType.DMA,
        ],
    )


def _edge_body(g_ref, ea_ref, mask_ref, w1c_ref, w2_ref, be2_ref, ef_ref):
    pre = g_ref[...] + jnp.dot(ea_ref[...], w1c_ref[...], preferred_element_type=F32)
    hh = jnp.maximum(pre, 0.0)
    ef = jnp.dot(hh, w2_ref[...], preferred_element_type=F32) + be2_ref[...]
    ef_ref[...] = ef * mask_ref[...]


def _make_edge(e, de, h, be):
    grid = (e // be,)
    return pl.pallas_call(
        _edge_body,
        grid=grid,
        in_specs=[
            pl.BlockSpec((be, h), lambda i: (i, 0)),
            pl.BlockSpec((be, de), lambda i: (i, 0)),
            pl.BlockSpec((be, 1), lambda i: (i, 0)),
            pl.BlockSpec((de, h), lambda i: (0, 0)),
            pl.BlockSpec((h, h), lambda i: (0, 0)),
            pl.BlockSpec((1, h), lambda i: (0, 0)),
        ],
        out_specs=pl.BlockSpec((be, h), lambda i: (i, 0)),
        out_shape=jax.ShapeDtypeStruct((e, h), F32),
    )


def _scatter_body(n, e, h, k, ef_hbm, row_hbm, agg_hbm,
                  idx, rows, zbuf, agg_sh, sr0, sr1):
    epw = e // NW
    ncx = (n + k - 1) // k
    cpt = (ncx + NS - 1) // NS
    cid = lax.axis_index("c")
    sid = lax.axis_index("s")
    wid = sid * NC + cid
    base = wid * epw

    def zrow(i, c2):
        def zvec(v, c3):
            zbuf[i, pl.ds(v * L, L)] = jnp.zeros((L,), F32)
            return c3
        return lax.fori_loop(0, h // L, zvec, c2)

    lax.fori_loop(0, k, zrow, 0)

    def zchunk(j, carry):
        ct = sid * cpt + j

        @pl.when(ct < ncx)
        def _():
            pltpu.sync_copy(zbuf, agg_sh.at[pl.ds(ct * k, k)])
        return carry

    lax.fori_loop(0, cpt, zchunk, 0)
    plsc.subcore_barrier()

    sr = (sr0, sr1)

    def start(j, b):
        off = base + j * k
        pltpu.async_copy(row_hbm.at[pl.ds(off, k)], idx.at[b], sr[b])
        pltpu.async_copy(ef_hbm.at[pl.ds(off, k)], rows.at[b], sr[b])

    def wait_rows(b):
        pltpu.make_async_copy(row_hbm.at[pl.ds(base, k)], idx.at[b], sr[b]).wait()
        pltpu.make_async_copy(ef_hbm.at[pl.ds(base, k)], rows.at[b], sr[b]).wait()

    nch = epw // k
    start(0, 0)

    def chunk(io, carry):
        for b in (0, 1):
            j = io * 2 + b

            @pl.when(j < nch)
            def _():
                @pl.when(j + 1 < nch)
                def _():
                    start(j + 1, 1 - b)

                wait_rows(b)
                pltpu.sync_copy(rows.at[b], agg_sh.at[idx.at[b]], add=True)
        return carry

    lax.fori_loop(0, (nch + 1) // 2, chunk, 0)
    plsc.subcore_barrier()

    def dchunk(j, carry):
        ct = sid * cpt + j

        @pl.when(ct < ncx)
        def _():
            pltpu.sync_copy(agg_sh.at[pl.ds(ct * k, k)],
                            agg_hbm.at[cid, pl.ds(ct * k, k)])
        return carry

    lax.fori_loop(0, cpt, dchunk, 0)


def _make_scatter(n, e, h, k):
    mesh = plsc.VectorSubcoreMesh(core_axis_name="c", subcore_axis_name="s")
    epw = e // NW
    return pl.kernel(
        functools.partial(_scatter_body, n, e, h, k),
        out_type=jax.ShapeDtypeStruct((NC, n, h), F32),
        mesh=mesh,
        scratch_types=[
            pltpu.VMEM((2, k), jnp.int32),
            pltpu.VMEM((2, k, h), F32),
            pltpu.VMEM((k, h), F32),
            pltpu.VMEM_SHARED((n, h), F32),
            pltpu.SemaphoreType.DMA,
            pltpu.SemaphoreType.DMA,
        ],
    )


def _node_body(x_ref, a0_ref, a1_ref, wn1a_ref, wn1b_ref, bn1_ref,
               wn2_ref, bn2_ref, out_ref):
    agg = a0_ref[...] + a1_ref[...]
    h2 = jnp.maximum(
        jnp.dot(x_ref[...], wn1a_ref[...], preferred_element_type=F32)
        + jnp.dot(agg, wn1b_ref[...], preferred_element_type=F32)
        + bn1_ref[...],
        0.0,
    )
    out_ref[...] = jnp.dot(h2, wn2_ref[...], preferred_element_type=F32) + bn2_ref[...]


def _make_node(n, d, h, bn):
    grid = (n // bn,)
    return pl.pallas_call(
        _node_body,
        grid=grid,
        in_specs=[
            pl.BlockSpec((bn, d), lambda i: (i, 0)),
            pl.BlockSpec((bn, h), lambda i: (i, 0)),
            pl.BlockSpec((bn, h), lambda i: (i, 0)),
            pl.BlockSpec((d, h), lambda i: (0, 0)),
            pl.BlockSpec((h, h), lambda i: (0, 0)),
            pl.BlockSpec((1, h), lambda i: (0, 0)),
            pl.BlockSpec((h, d), lambda i: (0, 0)),
            pl.BlockSpec((1, d), lambda i: (0, 0)),
        ],
        out_specs=pl.BlockSpec((bn, d), lambda i: (i, 0)),
        out_shape=jax.ShapeDtypeStruct((n, d), F32),
    )


def kernel(x, edge_index, edge_mask, edge_attr, We1, be1, We2, be2,
           Wn1, bn1, Wn2, bn2):
    n, d = x.shape
    e = edge_index.shape[1]
    de = edge_attr.shape[1]
    h = We2.shape[1]

    row = edge_index[0]
    col = edge_index[1]

    k = 80
    bn = 1000
    be = 2000

    xa, xb = _make_tables(n, d, h, bn)(
        x, We1[:d], We1[d:2 * d], be1.reshape(1, h))

    g = _make_gather(n, e, h, k)(xa, xb, row, col)

    ef = _make_edge(e, de, h, be)(
        g, edge_attr, edge_mask, We1[2 * d:], We2, be2.reshape(1, h))

    aggs = _make_scatter(n, e, h, k)(ef, row)

    x_out = _make_node(n, d, h, bn)(
        x, aggs[0], aggs[1], Wn1[:d], Wn1[d:], bn1.reshape(1, h),
        Wn2, bn2.reshape(1, d))

    return (x_out, ef)

# --- scband reference (transcript-rebuilt; emitter-appended) ---
"""Pipeline reference for scband-gcl-basic-9371618639983 (READ-ONLY COPY).

The authoritative reference and input builder live on the scoring server;
editing this copy changes nothing except your own understanding.
"""

import jax, jax.numpy as jnp
import numpy as np

N = 10000
E = 320000
D = 128
DE = 16
H = 128


def setup_inputs(seed: int = 0) -> dict:
    key = jax.random.key(seed)
    ks = jax.random.split(key, 16)
    x = jax.random.normal(ks[0], (N, D), dtype=jnp.float32)
    edge_index = jax.random.randint(ks[1], (2, E), 0, N, dtype=jnp.int32)
    edge_mask = jax.random.uniform(ks[2], (E, 1), dtype=jnp.float32)
    edge_attr = jax.random.normal(ks[3], (E, DE), dtype=jnp.float32)
    # edge_model MLP: Linear(2*D+DE -> H), ReLU, Linear(H -> H)
    We1 = jax.random.normal(ks[4], (2 * D + DE, H), dtype=jnp.float32) / np.sqrt(2 * D + DE)
    be1 = jnp.zeros((H,), dtype=jnp.float32)
    We2 = jax.random.normal(ks[5], (H, H), dtype=jnp.float32) / np.sqrt(H)
    be2 = jnp.zeros((H,), dtype=jnp.float32)
    # node_model MLP: Linear(D+H -> H), ReLU, Linear(H -> D)
    Wn1 = jax.random.normal(ks[6], (D + H, H), dtype=jnp.float32) / np.sqrt(D + H)
    bn1 = jnp.zeros((H,), dtype=jnp.float32)
    Wn2 = jax.random.normal(ks[7], (H, D), dtype=jnp.float32) / np.sqrt(H)
    bn2 = jnp.zeros((D,), dtype=jnp.float32)
    return {
        'x': x, 'edge_index': edge_index, 'edge_mask': edge_mask, 'edge_attr': edge_attr,
        'We1': We1, 'be1': be1, 'We2': We2, 'be2': be2,
        'Wn1': Wn1, 'bn1': bn1, 'Wn2': Wn2, 'bn2': bn2,
    }


def reference(x, edge_index, edge_mask, edge_attr, We1, be1, We2, be2, Wn1, bn1, Wn2, bn2):
    # forward of GCL_basic with standard concrete edge_model/node_model (EGNN-style GCL)
    row = edge_index[0]
    col = edge_index[1]
    # edge_model(x[row], x[col], edge_attr): MLP over concatenated features
    source = jnp.take(x, row, axis=0)
    target = jnp.take(x, col, axis=0)
    e_in = jnp.concatenate([source, target, edge_attr], axis=1)
    h = jax.nn.relu(e_in @ We1 + be1)
    edge_feat = h @ We2 + be2
    # mask edges
    edge_feat = edge_feat * edge_mask
    # node_model(x, edge_index, edge_feat): scatter-add aggregation then MLP
    agg = jax.ops.segment_sum(edge_feat, row, num_segments=x.shape[0])
    n_in = jnp.concatenate([x, agg], axis=1)
    h2 = jax.nn.relu(n_in @ Wn1 + bn1)
    x_out = h2 @ Wn2 + bn2
    return (x_out, edge_feat)

if __name__ == "__main__":
    import jax
    _d = setup_inputs()
    print(jax.jit(kernel)(*tuple(_d.values())))

</pallas_src>

<mosaic_0001>
#map = affine_map<(d0, d1) -> (0, 0)>
#map1 = affine_map<(d0, d1) -> (0)>
module attributes {stable_mosaic.version = 14 : i64} {
  func.func @_gather_body(%arg0: i32, %arg1: i32, %arg2: memref<10000x128xf32, #tpu.memory_space<hbm>>, %arg3: memref<10000x128xf32, #tpu.memory_space<hbm>>, %arg4: memref<320000xi32, #tpu.memory_space<hbm>>, %arg5: memref<320000xi32, #tpu.memory_space<hbm>>, %arg6: memref<320000x128xf32, #tpu.memory_space<hbm>>, %arg7: memref<10000xi32, #tpu.memory_space<vmem>>, %arg8: memref<10000xi32, #tpu.memory_space<vmem>>, %arg9: memref<2x80x128xf32, #tpu.memory_space<vmem>>, %arg10: memref<2x80x128xf32, #tpu.memory_space<vmem>>, %arg11: memref<!tpu.dma_semaphore, #tpu.memory_space<semaphore_mem>>, %arg12: memref<!tpu.dma_semaphore, #tpu.memory_space<semaphore_mem>>, %arg13: memref<!tpu.dma_semaphore, #tpu.memory_space<semaphore_mem>>, %arg14: memref<!tpu.dma_semaphore, #tpu.memory_space<semaphore_mem>>) attributes {dimension_semantics = [#tpu.dimension_semantics<core_parallel>, #tpu.dimension_semantics<subcore_parallel>], iteration_bounds = array<i64: 2, 16>, scalar_prefetch = 0 : i64, scratch_operands = 8 : i64, tpu.core_type = #tpu.core_type<sc_vector_subcore>, window_params = [{transform_indices = #map}, {transform_indices = #map}, {transform_indices = #map1}, {transform_indices = #map1}, {transform_indices = #map}]} {
    %mul3A = arith.constant 2 : i32
    %mul3A_0 = arith.muli %arg1, %mul3A : i32
    %add3A = arith.addi %mul3A_0, %arg0 : i32
    %mul3A_1 = arith.constant 10000 : i32
    %mul3A_2 = arith.muli %add3A, %mul3A_1 : i32
    "tpu.region"() ({
      %run_scoped3A = tpu.sem_alloc : memref<!tpu.dma_semaphore, #tpu.memory_space<semaphore_mem>>
      %dma_start3A_39 = tpu.memref_slice %arg4[%mul3A_2] : memref<320000xi32, #tpu.memory_space<hbm>> -> memref<10000xi32, #tpu.memory_space<hbm>>
      %dma_start3A_40 = tpu.memref_slice %arg4[%mul3A_2] : memref<320000xi32, #tpu.memory_space<hbm>> -> memref<10000xi32, #tpu.memory_space<hbm>>
      tpu.enqueue_dma source(%dma_start3A_40 : memref<10000xi32, #tpu.memory_space<hbm>>) target(%arg7 : memref<10000xi32, #tpu.memory_space<vmem>>) target_semaphore(%run_scoped3A : memref<!tpu.dma_semaphore, #tpu.memory_space<semaphore_mem>>)
      %dma_wait3A_41 = tpu.memref_slice %arg4[%mul3A_2] : memref<320000xi32, #tpu.memory_space<hbm>> -> memref<10000xi32, #tpu.memory_space<hbm>>
      %dma_wait3A_42 = tpu.memref_slice %arg4[%mul3A_2] : memref<320000xi32, #tpu.memory_space<hbm>> -> memref<10000xi32, #tpu.memory_space<hbm>>
      tpu.wait_dma2 semaphore(%run_scoped3A : memref<!tpu.dma_semaphore, #tpu.memory_space<semaphore_mem>>) src(%dma_wait3A_42 : memref<10000xi32, #tpu.memory_space<hbm>>) dst(%arg7 : memref<10000xi32, #tpu.memory_space<vmem>>)
      tpu.yield
    }) : () -> ()
    "tpu.region"() ({
      %run_scoped3A = tpu.sem_alloc : memref<!tpu.dma_semaphore, #tpu.memory_space<semaphore_mem>>
      %dma_start3A_39 = tpu.memref_slice %arg5[%mul3A_2] : memref<320000xi32, #tpu.memory_space<hbm>> -> memref<10000xi32, #tpu.memory_space<hbm>>
      %dma_start3A_40 = tpu.memref_slice %arg5[%mul3A_2] : memref<320000xi32, #tpu.memory_space<hbm>> -> memref<10000xi32, #tpu.memory_space<hbm>>
      tpu.enqueue_dma source(%dma_start3A_40 : memref<10000xi32, #tpu.memory_space<hbm>>) target(%arg8 : memref<10000xi32, #tpu.memory_space<vmem>>) target_semaphore(%run_scoped3A : memref<!tpu.dma_semaphore, #tpu.memory_space<semaphore_mem>>)
      %dma_wait3A_41 = tpu.memref_slice %arg5[%mul3A_2] : memref<320000xi32, #tpu.memory_space<hbm>> -> memref<10000xi32, #tpu.memory_space<hbm>>
      %dma_wait3A_42 = tpu.memref_slice %arg5[%mul3A_2] : memref<320000xi32, #tpu.memory_space<hbm>> -> memref<10000xi32, #tpu.memory_space<hbm>>
      tpu.wait_dma2 semaphore(%run_scoped3A : memref<!tpu.dma_semaphore, #tpu.memory_space<semaphore_mem>>) src(%dma_wait3A_42 : memref<10000xi32, #tpu.memory_space<hbm>>) dst(%arg8 : memref<10000xi32, #tpu.memory_space<vmem>>)
      tpu.yield
    }) : () -> ()
    %dma_start3A = arith.constant 0 : i32
    %dma_start3A_3 = arith.constant 0 : i32
    %dma_start3A_4 = arith.constant 0 : i32
    %dma_start3A_5 = tpu.memref_slice %arg9[%dma_start3A, %dma_start3A_3, %dma_start3A_4] : memref<2x80x128xf32, #tpu.memory_space<vmem>> -> memref<1x80x128xf32, #tpu.memory_space<vmem>>
    %dma_start3A_6 = tpu.memref_squeeze %dma_start3A_5 : memref<1x80x128xf32, #tpu.memory_space<vmem>> -> memref<80x128xf32, #tpu.memory_space<vmem>>
    %dma_start3A_7 = arith.constant 0 : i32
    %dma_start3A_8 = tpu.memref_slice %arg7[%dma_start3A_7] : memref<10000xi32, #tpu.memory_space<vmem>> -> memref<80xi32, #tpu.memory_space<vmem>>
    %dma_start3A_9 = arith.constant 0 : i32
    %dma_start3A_10 = arith.constant 0 : i32
    %dma_start3A_11 = tpu.memref_slice %arg2[%dma_start3A_9, %dma_start3A_10] : memref<10000x128xf32, #tpu.memory_space<hbm>> -> memref<10000x128xf32, #tpu.memory_space<hbm>>
    tpu.enqueue_indirect_dma source(%dma_start3A_11 : memref<10000x128xf32, #tpu.memory_space<hbm>>) target(%dma_start3A_6 : memref<80x128xf32, #tpu.memory_space<vmem>>) offsets(%dma_start3A_8 : memref<80xi32, #tpu.memory_space<vmem>>) semaphore(%arg11 : memref<!tpu.dma_semaphore, #tpu.memory_space<semaphore_mem>>)
    %dma_start3A_12 = arith.constant 0 : i32
    %dma_start3A_13 = arith.constant 0 : i32
    %dma_start3A_14 = arith.constant 0 : i32
    %dma_start3A_15 = tpu.memref_slice %arg10[%dma_start3A_12, %dma_start3A_13, %dma_start3A_14] : memref<2x80x128xf32, #tpu.memory_space<vmem>> -> memref<1x80x128xf32, #tpu.memory_space<vmem>>
    %dma_start3A_16 = tpu.memref_squeeze %dma_start3A_15 : memref<1x80x128xf32, #tpu.memory_space<vmem>> -> memref<80x128xf32, #tpu.memory_space<vmem>>
    %dma_start3A_17 = arith.constant 0 : i32
    %dma_start3A_18 = tpu.memref_slice %arg8[%dma_start3A_17] : memref<10000xi32, #tpu.memory_space<vmem>> -> memref<80xi32, #tpu.memory_space<vmem>>
    %dma_start3A_19 = arith.constant 0 : i32
    %dma_start3A_20 = arith.constant 0 : i32
    %dma_start3A_21 = tpu.memref_slice %arg3[%dma_start3A_19, %dma_start3A_20] : memref<10000x128xf32, #tpu.memory_space<hbm>> -> memref<10000x128xf32, #tpu.memory_space<hbm>>
    tpu.enqueue_indirect_dma source(%dma_start3A_21 : memref<10000x128xf32, #tpu.memory_space<hbm>>) target(%dma_start3A_16 : memref<80x128xf32, #tpu.memory_space<vmem>>) offsets(%dma_start3A_18 : memref<80xi32, #tpu.memory_space<vmem>>) semaphore(%arg11 : memref<!tpu.dma_semaphore, #tpu.memory_space<semaphore_mem>>)
    %scan3A = arith.constant 0 : i32
    %scan3A_22 = arith.constant 0 : i32
    %scan3A_23 = arith.constant 63 : i32
    %scan3A_24 = arith.addi %scan3A_22, %scan3A_23 : i32
    %scan3A_25 = arith.constant 1 : i32
    scf.for %scan3A_39 = %scan3A_22 to %scan3A_24 step %scan3A_25  : i32 {
      %mul3A_40 = arith.constant 2 : i32
      %mul3A_41 = arith.muli %scan3A_39, %mul3A_40 : i32
      %add3A_42 = arith.constant 0 : i32
      %add3A_43 = arith.addi %mul3A_41, %add3A_42 : i32
      %lt3A = arith.constant 125 : i32
      %lt3A_44 = arith.cmpi slt, %add3A_43, %lt3A : i32
      %convert_element_type3A = arith.extui %lt3A_44 : i1 to i32
      %cond3A = arith.constant 0 : i32
      %cond3A_45 = arith.cmpi ne, %convert_element_type3A, %cond3A : i32
      scf.if %cond3A_45 {
        %ge3A = arith.constant 1 : i32
        %ge3A_55 = arith.cmpi sge, %add3A_43, %ge3A : i32
        %convert_element_type3A_56 = arith.extui %ge3A_55 : i1 to i32
        %cond3A_57 = arith.constant 0 : i32
        %cond3A_58 = arith.cmpi ne, %convert_element_type3A_56, %cond3A_57 : i32
        scf.if %cond3A_58 {
          %dma_wait3A_108 = arith.constant 1 : i32
          %dma_wait3A_109 = arith.constant 0 : i32
          %dma_wait3A_110 = arith.constant 0 : i32
          %dma_wait3A_111 = tpu.memref_slice %arg10[%dma_wait3A_108, %dma_wait3A_109, %dma_wait3A_110] : memref<2x80x128xf32, #tpu.memory_space<vmem>> -> memref<1x80x128xf32, #tpu.memory_space<vmem>>
          %dma_wait3A_112 = tpu.memref_squeeze %dma_wait3A_111 : memref<1x80x128xf32, #tpu.memory_space<vmem>> -> memref<80x128xf32, #tpu.memory_space<vmem>>
          %dma_wait3A_113 = arith.constant 0 : i32
          %dma_wait3A_114 = tpu.memref_slice %arg6[%mul3A_2, %dma_wait3A_113] : memref<320000x128xf32, #tpu.memory_space<hbm>> -> memref<80x128xf32, #tpu.memory_space<hbm>>
          %dma_wait3A_115 = arith.constant 0 : i32
          %dma_wait3A_116 = tpu.memref_slice %arg6[%mul3A_2, %dma_wait3A_115] : memref<320000x128xf32, #tpu.memory_space<hbm>> -> memref<80x128xf32, #tpu.memory_space<hbm>>
          %dma_wait3A_117 = arith.constant 0 : i32
          %dma_wait3A_118 = arith.constant 0 : i32
          %dma_wait3A_119 = tpu.memref_slice %arg10[%dma_wait3A_108, %dma_wait3A_117, %dma_wait3A_118] : memref<2x80x128xf32, #tpu.memory_space<vmem>> -> memref<1x80x128xf32, #tpu.memory_space<vmem>>
          %dma_wait3A_120 = tpu.memref_squeeze %dma_wait3A_119 : memref<1x80x128xf32, #tpu.memory_space<vmem>> -> memref<80x128xf32, #tpu.memory_space<vmem>>
          tpu.wait_dma2 semaphore(%arg14 : memref<!tpu.dma_semaphore, #tpu.memory_space<semaphore_mem>>) src(%dma_wait3A_120 : memref<80x128xf32, #tpu.memory_space<vmem>>) dst(%dma_wait3A_116 : memref<80x128xf32, #tpu.memory_space<hbm>>)
        } else {
        }
        %add3A_59 = arith.constant 1 : i32
        %add3A_60 = arith.addi %add3A_43, %add3A_59 : i32
        %lt3A_61 = arith.constant 125 : i32
        %lt3A_62 = arith.cmpi slt, %add3A_60, %lt3A_61 : i32
        %convert_element_type3A_63 = arith.extui %lt3A_62 : i1 to i32
        %cond3A_64 = arith.constant 0 : i32
        %cond3A_65 = arith.cmpi ne, %convert_element_type3A_63, %cond3A_64 : i32
        scf.if %cond3A_65 {
          %add3A_108 = arith.constant 1 : i32
          %add3A_109 = arith.addi %add3A_43, %add3A_108 : i32
          %mul3A_110 = arith.constant 80 : i32
          %mul3A_111 = arith.muli %add3A_109, %mul3A_110 : i32
          %dma_start3A_112 = arith.constant 1 : i32
          %dma_start3A_113 = arith.constant 0 : i32
          %dma_start3A_114 = arith.constant 0 : i32
          %dma_start3A_115 = tpu.memref_slice %arg9[%dma_start3A_112, %dma_start3A_113, %dma_start3A_114] : memref<2x80x128xf32, #tpu.memory_space<vmem>> -> memref<1x80x128xf32, #tpu.memory_space<vmem>>
          %dma_start3A_116 = tpu.memref_squeeze %dma_start3A_115 : memref<1x80x128xf32, #tpu.memory_space<vmem>> -> memref<80x128xf32, #tpu.memory_space<vmem>>
          %dma_start3A_117 = tpu.memref_slice %arg7[%mul3A_111] : memref<10000xi32, #tpu.memory_space<vmem>> -> memref<80xi32, #tpu.memory_space<vmem>>
          %dma_start3A_118 = arith.constant 0 : i32
          %dma_start3A_119 = arith.constant 0 : i32
          %dma_start3A_120 = tpu.memref_slice %arg2[%dma_start3A_118, %dma_start3A_119] : memref<10000x128xf32, #tpu.memory_space<hbm>> -> memref<10000x128xf32, #tpu.memory_space<hbm>>
          tpu.enqueue_indirect_dma source(%dma_start3A_120 : memref<10000x128xf32, #tpu.memory_space<hbm>>) target(%dma_start3A_116 : memref<80x128xf32, #tpu.memory_space<vmem>>) offsets(%dma_start3A_117 : memref<80xi32, #tpu.memory_space<vmem>>) semaphore(%arg12 : memref<!tpu.dma_semaphore, #tpu.memory_space<semaphore_mem>>)
          %dma_start3A_121 = arith.constant 1 : i32
          %dma_start3A_122 = arith.constant 0 : i32
          %dma_start3A_123 = arith.constant 0 : i32
          %dma_start3A_124 = tpu.memref_slice %arg10[%dma_start3A_121, %dma_start3A_122, %dma_start3A_123] : memref<2x80x128xf32, #tpu.memory_space<vmem>> -> memref<1x80x128xf32, #tpu.memory_space<vmem>>
          %dma_start3A_125 = tpu.memref_squeeze %dma_start3A_124 : memref<1x80x128xf32, #tpu.memory_space<vmem>> -> memref<80x128xf32, #tpu.memory_space<vmem>>
          %dma_start3A_126 = tpu.memref_slice %arg8[%mul3A_111] : memref<10000xi32, #tpu.memory_space<vmem>> -> memref<80xi32, #tpu.memory_space<vmem>>
          %dma_start3A_127 = arith.constant 0 : i32
          %dma_start3A_128 = arith.constant 0 : i32
          %dma_start3A_129 = tpu.memref_slice %arg3[%dma_start3A_127, %dma_start3A_128] : memref<10000x128xf32, #tpu.memory_space<hbm>> -> memref<10000x128xf32, #tpu.memory_space<hbm>>
          tpu.enqueue_indirect_dma source(%dma_start3A_129 : memref<10000x128xf32, #tpu.memory_space<hbm>>) target(%dma_start3A_125 : memref<80x128xf32, #tpu.memory_space<vmem>>) offsets(%dma_start3A_126 : memref<80xi32, #tpu.memory_space<vmem>>) semaphore(%arg12 : memref<!tpu.dma_semaphore, #tpu.memory_space<semaphore_mem>>)
        } else {
        }
        %dma_wait3A_66 = arith.constant 0 : i32
        %dma_wait3A_67 = arith.constant 0 : i32
        %dma_wait3A_68 = arith.constant 0 : i32
        %dma_wait3A_69 = tpu.memref_slice %arg9[%dma_wait3A_66, %dma_wait3A_67, %dma_wait3A_68] : memref<2x80x128xf32, #tpu.memory_space<vmem>> -> memref<1x80x128xf32, #tpu.memory_space<vmem>>
        %dma_wait3A_70 = tpu.memref_squeeze %dma_wait3A_69 : memref<1x80x128xf32, #tpu.memory_space<vmem>> -> memref<80x128xf32, #tpu.memory_space<vmem>>
        %dma_wait3A_71 = arith.constant 0 : i32
        %dma_wait3A_72 = tpu.memref_slice %arg7[%dma_wait3A_71] : memref<10000xi32, #tpu.memory_space<vmem>> -> memref<80xi32, #tpu.memory_space<vmem>>
        %dma_wait3A_73 = arith.constant 0 : i32
        %dma_wait3A_74 = arith.constant 0 : i32
        %dma_wait3A_75 = tpu.memref_slice %arg2[%dma_wait3A_73, %dma_wait3A_74] : memref<10000x128xf32, #tpu.memory_space<hbm>> -> memref<10000x128xf32, #tpu.memory_space<hbm>>
        tpu.wait_indirect_dma semaphore(%arg11 : memref<!tpu.dma_semaphore, #tpu.memory_space<semaphore_mem>>) src(%dma_wait3A_75 : memref<10000x128xf32, #tpu.memory_space<hbm>>) dst(%dma_wait3A_70 : memref<80x128xf32, #tpu.memory_space<vmem>>)
        %dma_wait3A_76 = arith.constant 0 : i32
        %dma_wait3A_77 = arith.constant 0 : i32
        %dma_wait3A_78 = arith.constant 0 : i32
        %dma_wait3A_79 = tpu.memref_slice %arg9[%dma_wait3A_76, %dma_wait3A_77, %dma_wait3A_78] : memref<2x80x128xf32, #tpu.memory_space<vmem>> -> memref<1x80x128xf32, #tpu.memory_space<vmem>>
        %dma_wait3A_80 = tpu.memref_squeeze %dma_wait3A_79 : memref<1x80x128xf32, #tpu.memory_space<vmem>> -> memref<80x128xf32, #tpu.memory_space<vmem>>
        %dma_wait3A_81 = arith.constant 0 : i32
        %dma_wait3A_82 = tpu.memref_slice %arg7[%dma_wait3A_81] : memref<10000xi32, #tpu.memory_space<vmem>> -> memref<80xi32, #tpu.memory_space<vmem>>
        %dma_wait3A_83 = arith.constant 0 : i32
        %dma_wait3A_84 = arith.constant 0 : i32
        %dma_wait3A_85 = tpu.memref_slice %arg2[%dma_wait3A_83, %dma_wait3A_84] : memref<10000x128xf32, #tpu.memory_space<hbm>> -> memref<10000x128xf32, #tpu.memory_space<hbm>>
        tpu.wait_indirect_dma semaphore(%arg11 : memref<!tpu.dma_semaphore, #tpu.memory_space<semaphore_mem>>) src(%dma_wait3A_85 : memref<10000x128xf32, #tpu.memory_space<hbm>>) dst(%dma_wait3A_80 : memref<80x128xf32, #tpu.memory_space<vmem>>)
        %scan3A_86 = arith.constant 0 : i32
        %scan3A_87 = arith.constant 0 : i32
        %scan3A_88 = arith.constant 80 : i32
        %scan3A_89 = arith.addi %scan3A_87, %scan3A_88 : i32
        %scan3A_90 = arith.constant 1 : i32
        scf.for %scan3A_108 = %scan3A_87 to %scan3A_89 step %scan3A_90  : i32 {
          %scan3A_109 = arith.constant 0 : i32
          %scan3A_110 = arith.constant 8 : i32
          %scan3A_111 = arith.addi %scan3A_109, %scan3A_110 : i32
          %scan3A_112 = arith.constant 1 : i32
          scf.for %scan3A_114 = %scan3A_109 to %scan3A_111 step %scan3A_112  : i32 {
            %mul3A_115 = arith.constant 16 : i32
            %mul3A_116 = arith.muli %scan3A_114, %mul3A_115 : i32
            %mul3A_117 = arith.constant 16 : i32
            %mul3A_118 = arith.muli %scan3A_114, %mul3A_117 : i32
            %get3A = arith.constant 0 : i32
            %get3A_119 = arith.index_cast %get3A : i32 to index
            %get3A_120 = arith.index_cast %scan3A_108 : i32 to index
            %get3A_121 = arith.index_cast %mul3A_118 : i32 to index
            %get3A_122 = tpu.vector_load %arg9[%get3A_119, %get3A_120, %get3A_121] {strides = array<i32>} : memref<2x80x128xf32, #tpu.memory_space<vmem>>, vector<1x1x16xf32>,
            %get3A_123 = vector.shape_cast %get3A_122 : vector<1x1x16xf32> to vector<16xf32>
            %swap3A = arith.constant 0 : i32
            %swap3A_124 = arith.index_cast %swap3A : i32 to index
            %swap3A_125 = arith.index_cast %scan3A_108 : i32 to index
            %swap3A_126 = arith.index_cast %mul3A_116 : i32 to index
            %swap3A_127 = tpu.vector_load %arg10[%swap3A_124, %swap3A_125, %swap3A_126] {strides = array<i32>} : memref<2x80x128xf32, #tpu.memory_space<vmem>>, vector<1x1x16xf32>,
            %swap3A_128 = vector.shape_cast %swap3A_127 : vector<1x1x16xf32> to vector<16xf32>
            %swap3A_129 = vector.shape_cast %get3A_123 : vector<16xf32> to vector<1x1x16xf32>
            tpu.vector_store %arg10[%swap3A_124, %swap3A_125, %swap3A_126], %swap3A_129 {add = true, strides = array<i32>} : memref<2x80x128xf32, #tpu.memory_space<vmem>>, vector<1x1x16xf32>,
          }
          %scan3A_113 = arith.constant 8 : i32
        }
        %scan3A_91 = arith.constant 80 : i32
        %mul3A_92 = arith.constant 80 : i32
        %mul3A_93 = arith.muli %add3A_43, %mul3A_92 : i32
        %add3A_94 = arith.addi %mul3A_2, %mul3A_93 : i32
        %dma_start3A_95 = arith.constant 0 : i32
        %dma_start3A_96 = arith.constant 0 : i32
        %dma_start3A_97 = arith.constant 0 : i32
        %dma_start3A_98 = tpu.memref_slice %arg10[%dma_start3A_95, %dma_start3A_96, %dma_start3A_97] : memref<2x80x128xf32, #tpu.memory_space<vmem>> -> memref<1x80x128xf32, #tpu.memory_space<vmem>>
        %dma_start3A_99 = tpu.memref_squeeze %dma_start3A_98 : memref<1x80x128xf32, #tpu.memory_space<vmem>> -> memref<80x128xf32, #tpu.memory_space<vmem>>
        %dma_start3A_100 = arith.constant 0 : i32
        %dma_start3A_101 = tpu.memref_slice %arg6[%add3A_94, %dma_start3A_100] : memref<320000x128xf32, #tpu.memory_space<hbm>> -> memref<80x128xf32, #tpu.memory_space<hbm>>
        %dma_start3A_102 = arith.constant 0 : i32
        %dma_start3A_103 = tpu.memref_slice %arg6[%add3A_94, %dma_start3A_102] : memref<320000x128xf32, #tpu.memory_space<hbm>> -> memref<80x128xf32, #tpu.memory_space<hbm>>
        %dma_start3A_104 = arith.constant 0 : i32
        %dma_start3A_105 = arith.constant 0 : i32
        %dma_start3A_106 = tpu.memref_slice %arg10[%dma_start3A_95, %dma_start3A_104, %dma_start3A_105] : memref<2x80x128xf32, #tpu.memory_space<vmem>> -> memref<1x80x128xf32, #tpu.memory_space<vmem>>
        %dma_start3A_107 = tpu.memref_squeeze %dma_start3A_106 : memref<1x80x128xf32, #tpu.memory_space<vmem>> -> memref<80x128xf32, #tpu.memory_space<vmem>>
        tpu.enqueue_dma source(%dma_start3A_107 : memref<80x128xf32, #tpu.memory_space<vmem>>) target(%dma_start3A_103 : memref<80x128xf32, #tpu.memory_space<hbm>>) target_semaphore(%arg13 : memref<!tpu.dma_semaphore, #tpu.memory_space<semaphore_mem>>)
      } else {
      }
      %mul3A_46 = arith.constant 2 : i32
      %mul3A_47 = arith.muli %scan3A_39, %mul3A_46 : i32
      %add3A_48 = arith.constant 1 : i32
      %add3A_49 = arith.addi %mul3A_47, %add3A_48 : i32
      %lt3A_50 = arith.constant 125 : i32
      %lt3A_51 = arith.cmpi slt, %add3A_49, %lt3A_50 : i32
      %convert_element_type3A_52 = arith.extui %lt3A_51 : i1 to i32
      %cond3A_53 = arith.constant 0 : i32
      %cond3A_54 = arith.cmpi ne, %convert_element_type3A_52, %cond3A_53 : i32
      scf.if %cond3A_54 {
        %ge3A = arith.constant 1 : i32
        %ge3A_55 = arith.cmpi sge, %add3A_49, %ge3A : i32
        %convert_element_type3A_56 = arith.extui %ge3A_55 : i1 to i32
        %cond3A_57 = arith.constant 0 : i32
        %cond3A_58 = arith.cmpi ne, %convert_element_type3A_56, %cond3A_57 : i32
        scf.if %cond3A_58 {
          %dma_wait3A_108 = arith.constant 0 : i32
          %dma_wait3A_109 = arith.constant 0 : i32
          %dma_wait3A_110 = arith.constant 0 : i32
          %dma_wait3A_111 = tpu.memref_slice %arg10[%dma_wait3A_108, %dma_wait3A_109, %dma_wait3A_110] : memref<2x80x128xf32, #tpu.memory_space<vmem>> -> memref<1x80x128xf32, #tpu.memory_space<vmem>>
          %dma_wait3A_112 = tpu.memref_squeeze %dma_wait3A_111 : memref<1x80x128xf32, #tpu.memory_space<vmem>> -> memref<80x128xf32, #tpu.memory_space<vmem>>
          %dma_wait3A_113 = arith.constant 0 : i32
          %dma_wait3A_114 = tpu.memref_slice %arg6[%mul3A_2, %dma_wait3A_113] : memref<320000x128xf32, #tpu.memory_space<hbm>> -> memref<80x128xf32, #tpu.memory_space<hbm>>
          %dma_wait3A_115 = arith.constant 0 : i32
          %dma_wait3A_116 = tpu.memref_slice %arg6[%mul3A_2, %dma_wait3A_115] : memref<320000x128xf32, #tpu.memory_space<hbm>> -> memref<80x128xf32, #tpu.memory_space<hbm>>
          %dma_wait3A_117 = arith.constant 0 : i32
          %dma_wait3A_118 = arith.constant 0 : i32
          %dma_wait3A_119 = tpu.memref_slice %arg10[%dma_wait3A_108, %dma_wait3A_117, %dma_wait3A_118] : memref<2x80x128xf32, #tpu.memory_space<vmem>> -> memref<1x80x128xf32, #tpu.memory_space<vmem>>
          %dma_wait3A_120 = tpu.memref_squeeze %dma_wait3A_119 : memref<1x80x128xf32, #tpu.memory_space<vmem>> -> memref<80x128xf32, #tpu.memory_space<vmem>>
          tpu.wait_dma2 semaphore(%arg13 : memref<!tpu.dma_semaphore, #tpu.memory_space<semaphore_mem>>) src(%dma_wait3A_120 : memref<80x128xf32, #tpu.memory_space<vmem>>) dst(%dma_wait3A_116 : memref<80x128xf32, #tpu.memory_space<hbm>>)
        } else {
        }
        %add3A_59 = arith.constant 1 : i32
        %add3A_60 = arith.addi %add3A_49, %add3A_59 : i32
        %lt3A_61 = arith.constant 125 : i32
        %lt3A_62 = arith.cmpi slt, %add3A_60, %lt3A_61 : i32
        %convert_element_type3A_63 = arith.extui %lt3A_62 : i1 to i32
        %cond3A_64 = arith.constant 0 : i32
        %cond3A_65 = arith.cmpi ne, %convert_element_type3A_63, %cond3A_64 : i32
        scf.if %cond3A_65 {
          %add3A_108 = arith.constant 1 : i32
          %add3A_109 = arith.addi %add3A_49, %add3A_108 : i32
          %mul3A_110 = arith.constant 80 : i32
          %mul3A_111 = arith.muli %add3A_109, %mul3A_110 : i32
          %dma_start3A_112 = arith.constant 0 : i32
          %dma_start3A_113 = arith.constant 0 : i32
          %dma_start3A_114 = arith.constant 0 : i32
          %dma_start3A_115 = tpu.memref_slice %arg9[%dma_start3A_112, %dma_start3A_113, %dma_start3A_114] : memref<2x80x128xf32, #tpu.memory_space<vmem>> -> memref<1x80x128xf32, #tpu.memory_space<vmem>>
          %dma_start3A_116 = tpu.memref_squeeze %dma_start3A_115 : memref<1x80x128xf32, #tpu.memory_space<vmem>> -> memref<80x128xf32, #tpu.memory_space<vmem>>
          %dma_start3A_117 = tpu.memref_slice %arg7[%mul3A_111] : memref<10000xi32, #tpu.memory_space<vmem>> -> memref<80xi32, #tpu.memory_space<vmem>>
          %dma_start3A_118 = arith.constant 0 : i32
          %dma_start3A_119 = arith.constant 0 : i32
          %dma_start3A_120 = tpu.memref_slice %arg2[%dma_start3A_118, %dma_start3A_119] : memref<10000x128xf32, #tpu.memory_space<hbm>> -> memref<10000x128xf32, #tpu.memory_space<hbm>>
          tpu.enqueue_indirect_dma source(%dma_start3A_120 : memref<10000x128xf32, #tpu.memory_space<hbm>>) target(%dma_start3A_116 : memref<80x128xf32, #tpu.memory_space<vmem>>) offsets(%dma_start3A_117 : memref<80xi32, #tpu.memory_space<vmem>>) semaphore(%arg11 : memref<!tpu.dma_semaphore, #tpu.memory_space<semaphore_mem>>)
          %dma_start3A_121 = arith.constant 0 : i32
          %dma_start3A_122 = arith.constant 0 : i32
          %dma_start3A_123 = arith.constant 0 : i32
          %dma_start3A_124 = tpu.memref_slice %arg10[%dma_start3A_121, %dma_start3A_122, %dma_start3A_123] : memref<2x80x128xf32, #tpu.memory_space<vmem>> -> memref<1x80x128xf32, #tpu.memory_space<vmem>>
          %dma_start3A_125 = tpu.memref_squeeze %dma_start3A_124 : memref<1x80x128xf32, #tpu.memory_space<vmem>> -> memref<80x128xf32, #tpu.memory_space<vmem>>
          %dma_start3A_126 = tpu.memref_slice %arg8[%mul3A_111] : memref<10000xi32, #tpu.memory_space<vmem>> -> memref<80xi32, #tpu.memory_space<vmem>>
          %dma_start3A_127 = arith.constant 0 : i32
          %dma_start3A_128 = arith.constant 0 : i32
          %dma_start3A_129 = tpu.memref_slice %arg3[%dma_start3A_127, %dma_start3A_128] : memref<10000x128xf32, #tpu.memory_space<hbm>> -> memref<10000x128xf32, #tpu.memory_space<hbm>>
          tpu.enqueue_indirect_dma source(%dma_start3A_129 : memref<10000x128xf32, #tpu.memory_space<hbm>>) target(%dma_start3A_125 : memref<80x128xf32, #tpu.memory_space<vmem>>) offsets(%dma_start3A_126 : memref<80xi32, #tpu.memory_space<vmem>>) semaphore(%arg11 : memref<!tpu.dma_semaphore, #tpu.memory_space<semaphore_mem>>)
        } else {
        }
        %dma_wait3A_66 = arith.constant 1 : i32
        %dma_wait3A_67 = arith.constant 0 : i32
        %dma_wait3A_68 = arith.constant 0 : i32
        %dma_wait3A_69 = tpu.memref_slice %arg9[%dma_wait3A_66, %dma_wait3A_67, %dma_wait3A_68] : memref<2x80x128xf32, #tpu.memory_space<vmem>> -> memref<1x80x128xf32, #tpu.memory_space<vmem>>
        %dma_wait3A_70 = tpu.memref_squeeze %dma_wait3A_69 : memref<1x80x128xf32, #tpu.memory_space<vmem>> -> memref<80x128xf32, #tpu.memory_space<vmem>>
        %dma_wait3A_71 = arith.constant 0 : i32
        %dma_wait3A_72 = tpu.memref_slice %arg7[%dma_wait3A_71] : memref<10000xi32, #tpu.memory_space<vmem>> -> memref<80xi32, #tpu.memory_space<vmem>>
        %dma_wait3A_73 = arith.constant 0 : i32
        %dma_wait3A_74 = arith.constant 0 : i32
        %dma_wait3A_75 = tpu.memref_slice %arg2[%dma_wait3A_73, %dma_wait3A_74] : memref<10000x128xf32, #tpu.memory_space<hbm>> -> memref<10000x128xf32, #tpu.memory_space<hbm>>
        tpu.wait_indirect_dma semaphore(%arg12 : memref<!tpu.dma_semaphore, #tpu.memory_space<semaphore_mem>>) src(%dma_wait3A_75 : memref<10000x128xf32, #tpu.memory_space<hbm>>) dst(%dma_wait3A_70 : memref<80x128xf32, #tpu.memory_space<vmem>>)
        %dma_wait3A_76 = arith.constant 1 : i32
        %dma_wait3A_77 = arith.constant 0 : i32
        %dma_wait3A_78 = arith.constant 0 : i32
        %dma_wait3A_79 = tpu.memref_slice %arg9[%dma_wait3A_76, %dma_wait3A_77, %dma_wait3A_78] : memref<2x80x128xf32, #tpu.memory_space<vmem>> -> memref<1x80x128xf32, #tpu.memory_space<vmem>>
        %dma_wait3A_80 = tpu.memref_squeeze %dma_wait3A_79 : memref<1x80x128xf32, #tpu.memory_space<vmem>> -> memref<80x128xf32, #tpu.memory_space<vmem>>
        %dma_wait3A_81 = arith.constant 0 : i32
        %dma_wait3A_82 = tpu.memref_slice %arg7[%dma_wait3A_81] : memref<10000xi32, #tpu.memory_space<vmem>> -> memref<80xi32, #tpu.memory_space<vmem>>
        %dma_wait3A_83 = arith.constant 0 : i32
        %dma_wait3A_84 = arith.constant 0 : i32
        %dma_wait3A_85 = tpu.memref_slice %arg2[%dma_wait3A_83, %dma_wait3A_84] : memref<10000x128xf32, #tpu.memory_space<hbm>> -> memref<10000x128xf32, #tpu.memory_space<hbm>>
        tpu.wait_indirect_dma semaphore(%arg12 : memref<!tpu.dma_semaphore, #tpu.memory_space<semaphore_mem>>) src(%dma_wait3A_85 : memref<10000x128xf32, #tpu.memory_space<hbm>>) dst(%dma_wait3A_80 : memref<80x128xf32, #tpu.memory_space<vmem>>)
        %scan3A_86 = arith.constant 0 : i32
        %scan3A_87 = arith.constant 0 : i32
        %scan3A_88 = arith.constant 80 : i32
        %scan3A_89 = arith.addi %scan3A_87, %scan3A_88 : i32
        %scan3A_90 = arith.constant 1 : i32
        scf.for %scan3A_108 = %scan3A_87 to %scan3A_89 step %scan3A_90  : i32 {
          %scan3A_109 = arith.constant 0 : i32
          %scan3A_110 = arith.constant 8 : i32
          %scan3A_111 = arith.addi %scan3A_109, %scan3A_110 : i32
          %scan3A_112 = arith.constant 1 : i32
          scf.for %scan3A_114 = %scan3A_109 to %scan3A_111 step %scan3A_112  : i32 {
            %mul3A_115 = arith.constant 16 : i32
            %mul3A_116 = arith.muli %scan3A_114, %mul3A_115 : i32
            %mul3A_117 = arith.constant 16 : i32
            %mul3A_118 = arith.muli %scan3A_114, %mul3A_117 : i32
            %get3A = arith.constant 1 : i32
            %get3A_119 = arith.index_cast %get3A : i32 to index
            %get3A_120 = arith.index_cast %scan3A_108 : i32 to index
            %get3A_121 = arith.index_cast %mul3A_118 : i32 to index
            %get3A_122 = tpu.vector_load %arg9[%get3A_119, %get3A_120, %get3A_121] {strides = array<i32>} : memref<2x80x128xf32, #tpu.memory_space<vmem>>, vector<1x1x16xf32>,
            %get3A_123 = vector.shape_cast %get3A_122 : vector<1x1x16xf32> to vector<16xf32>
            %swap3A = arith.constant 1 : i32
            %swap3A_124 = arith.index_cast %swap3A : i32 to index
            %swap3A_125 = arith.index_cast %scan3A_108 : i32 to index
            %swap3A_126 = arith.index_cast %mul3A_116 : i32 to index
            %swap3A_127 = tpu.vector_load %arg10[%swap3A_124, %swap3A_125, %swap3A_126] {strides = array<i32>} : memref<2x80x128xf32, #tpu.memory_space<vmem>>, vector<1x1x16xf32>,
            %swap3A_128 = vector.shape_cast %swap3A_127 : vector<1x1x16xf32> to vector<16xf32>
            %swap3A_129 = vector.shape_cast %get3A_123 : vector<16xf32> to vector<1x1x16xf32>
            tpu.vector_store %arg10[%swap3A_124, %swap3A_125, %swap3A_126], %swap3A_129 {add = true, strides = array<i32>} : memref<2x80x128xf32, #tpu.memory_space<vmem>>, vector<1x1x16xf32>,
          }
          %scan3A_113 = arith.constant 8 : i32
        }
        %scan3A_91 = arith.constant 80 : i32
        %mul3A_92 = arith.constant 80 : i32
        %mul3A_93 = arith.muli %add3A_49, %mul3A_92 : i32
        %add3A_94 = arith.addi %mul3A_2, %mul3A_93 : i32
        %dma_start3A_95 = arith.constant 1 : i32
        %dma_start3A_96 = arith.constant 0 : i32
        %dma_start3A_97 = arith.constant 0 : i32
        %dma_start3A_98 = tpu.memref_slice %arg10[%dma_start3A_95, %dma_start3A_96, %dma_start3A_97] : memref<2x80x128xf32, #tpu.memory_space<vmem>> -> memref<1x80x128xf32, #tpu.memory_space<vmem>>
        %dma_start3A_99 = tpu.memref_squeeze %dma_start3A_98 : memref<1x80x128xf32, #tpu.memory_space<vmem>> -> memref<80x128xf32, #tpu.memory_space<vmem>>
        %dma_start3A_100 = arith.constant 0 : i32
        %dma_start3A_101 = tpu.memref_slice %arg6[%add3A_94, %dma_start3A_100] : memref<320000x128xf32, #tpu.memory_space<hbm>> -> memref<80x128xf32, #tpu.memory_space<hbm>>
        %dma_start3A_102 = arith.constant 0 : i32
        %dma_start3A_103 = tpu.memref_slice %arg6[%add3A_94, %dma_start3A_102] : memref<320000x128xf32, #tpu.memory_space<hbm>> -> memref<80x128xf32, #tpu.memory_space<hbm>>
        %dma_start3A_104 = arith.constant 0 : i32
        %dma_start3A_105 = arith.constant 0 : i32
        %dma_start3A_106 = tpu.memref_slice %arg10[%dma_start3A_95, %dma_start3A_104, %dma_start3A_105] : memref<2x80x128xf32, #tpu.memory_space<vmem>> -> memref<1x80x128xf32, #tpu.memory_space<vmem>>
        %dma_start3A_107 = tpu.memref_squeeze %dma_start3A_106 : memref<1x80x128xf32, #tpu.memory_space<vmem>> -> memref<80x128xf32, #tpu.memory_space<vmem>>
        tpu.enqueue_dma source(%dma_start3A_107 : memref<80x128xf32, #tpu.memory_space<vmem>>) target(%dma_start3A_103 : memref<80x128xf32, #tpu.memory_space<hbm>>) target_semaphore(%arg14 : memref<!tpu.dma_semaphore, #tpu.memory_space<semaphore_mem>>)
      } else {
      }
    }
    %scan3A_26 = arith.constant 63 : i32
    %dma_wait3A = arith.constant 0 : i32
    %dma_wait3A_27 = arith.constant 0 : i32
    %dma_wait3A_28 = arith.constant 0 : i32
    %dma_wait3A_29 = tpu.memref_slice %arg10[%dma_wait3A, %dma_wait3A_27, %dma_wait3A_28] : memref<2x80x128xf32, #tpu.memory_space<vmem>> -> memref<1x80x128xf32, #tpu.memory_space<vmem>>
    %dma_wait3A_30 = tpu.memref_squeeze %dma_wait3A_29 : memref<1x80x128xf32, #tpu.memory_space<vmem>> -> memref<80x128xf32, #tpu.memory_space<vmem>>
    %dma_wait3A_31 = arith.constant 0 : i32
    %dma_wait3A_32 = tpu.memref_slice %arg6[%mul3A_2, %dma_wait3A_31] : memref<320000x128xf32, #tpu.memory_space<hbm>> -> memref<80x128xf32, #tpu.memory_space<hbm>>
    %dma_wait3A_33 = arith.constant 0 : i32
    %dma_wait3A_34 = tpu.memref_slice %arg6[%mul3A_2, %dma_wait3A_33] : memref<320000x128xf32, #tpu.memory_space<hbm>> -> memref<80x128xf32, #tpu.memory_space<hbm>>
    %dma_wait3A_35 = arith.constant 0 : i32
    %dma_wait3A_36 = arith.constant 0 : i32
    %dma_wait3A_37 = tpu.memref_slice %arg10[%dma_wait3A, %dma_wait3A_35, %dma_wait3A_36] : memref<2x80x128xf32, #tpu.memory_space<vmem>> -> memref<1x80x128xf32, #tpu.memory_space<vmem>>
    %dma_wait3A_38 = tpu.memref_squeeze %dma_wait3A_37 : memref<1x80x128xf32, #tpu.memory_space<vmem>> -> memref<80x128xf32, #tpu.memory_space<vmem>>
    tpu.wait_dma2 semaphore(%arg13 : memref<!tpu.dma_semaphore, #tpu.memory_space<semaphore_mem>>) src(%dma_wait3A_38 : memref<80x128xf32, #tpu.memory_space<vmem>>) dst(%dma_wait3A_34 : memref<80x128xf32, #tpu.memory_space<hbm>>)
    return
  }
}

#map = affine_map<(d0, d1) -> (0, 0)>
#map1 = affine_map<(d0, d1) -> (0)>
#map2 = affine_map<(d0, d1) -> (0, 0, 0)>
module attributes {stable_mosaic.version = 14 : i64} {
  func.func @_scatter_body(%arg0: i32, %arg1: i32, %arg2: memref<320000x128xf32, #tpu.memory_space<hbm>>, %arg3: memref<320000xi32, #tpu.memory_space<hbm>>, %arg4: memref<2x10000x128xf32, #tpu.memory_space<hbm>>, %arg5: memref<2x80xi32, #tpu.memory_space<vmem>>, %arg6: memref<2x80x128xf32, #tpu.memory_space<vmem>>, %arg7: memref<80x128xf32, #tpu.memory_space<vmem>>, %arg8: memref<10000x128xf32, #tpu.memory_space<vmem_shared>>, %arg9: memref<!tpu.dma_semaphore, #tpu.memory_space<semaphore_mem>>, %arg10: memref<!tpu.dma_semaphore, #tpu.memory_space<semaphore_mem>>) attributes {dimension_semantics = [#tpu.dimension_semantics<core_parallel>, #tpu.dimension_semantics<subcore_parallel>], iteration_bounds = array<i64: 2, 16>, scalar_prefetch = 0 : i64, scratch_operands = 6 : i64, tpu.core_type = #tpu.core_type<sc_vector_subcore>, window_params = [{transform_indices = #map}, {transform_indices = #map1}, {transform_indices = #map2}]} {
    %mul3A = arith.constant 2 : i32
    %mul3A_0 = arith.muli %arg1, %mul3A : i32
    %add3A = arith.addi %mul3A_0, %arg0 : i32
    %mul3A_1 = arith.constant 10000 : i32
    %mul3A_2 = arith.muli %add3A, %mul3A_1 : i32
    %scan3A = arith.constant 0 : i32
    %scan3A_3 = arith.constant 0 : i32
    %scan3A_4 = arith.constant 80 : i32
    %scan3A_5 = arith.addi %scan3A_3, %scan3A_4 : i32
    %scan3A_6 = arith.constant 1 : i32
    scf.for %scan3A_50 = %scan3A_3 to %scan3A_5 step %scan3A_6  : i32 {
      %scan3A_51 = arith.constant 0 : i32
      %scan3A_52 = arith.constant 8 : i32
      %scan3A_53 = arith.addi %scan3A_51, %scan3A_52 : i32
      %scan3A_54 = arith.constant 1 : i32
      scf.for %scan3A_56 = %scan3A_51 to %scan3A_53 step %scan3A_54  : i32 {
        %broadcast_in_dim3A = arith.constant 0.000000e+00 : f32
        %broadcast_in_dim3A_57 = vector.broadcast %broadcast_in_dim3A : f32 to vector<16xf32>
        %mul3A_58 = arith.constant 16 : i32
        %mul3A_59 = arith.muli %scan3A_56, %mul3A_58 : i32
        %swap3A = arith.index_cast %scan3A_50 : i32 to index
        %swap3A_60 = arith.index_cast %mul3A_59 : i32 to index
        %swap3A_61 = tpu.vector_load %arg7[%swap3A, %swap3A_60] {strides = array<i32>} : memref<80x128xf32, #tpu.memory_space<vmem>>, vector<1x16xf32>,
        %swap3A_62 = vector.shape_cast %swap3A_61 : vector<1x16xf32> to vector<16xf32>
        %swap3A_63 = vector.shape_cast %broadcast_in_dim3A_57 : vector<16xf32> to vector<1x16xf32>
        tpu.vector_store %arg7[%swap3A, %swap3A_60], %swap3A_63 {strides = array<i32>} : memref<80x128xf32, #tpu.memory_space<vmem>>, vector<1x16xf32>,
      }
      %scan3A_55 = arith.constant 8 : i32
    }
    %scan3A_7 = arith.constant 80 : i32
    %scan3A_8 = arith.constant 0 : i32
    %scan3A_9 = arith.constant 0 : i32
    %scan3A_10 = arith.constant 8 : i32
    %scan3A_11 = arith.addi %scan3A_9, %scan3A_10 : i32
    %scan3A_12 = arith.constant 1 : i32
    scf.for %scan3A_50 = %scan3A_9 to %scan3A_11 step %scan3A_12  : i32 {
      %mul3A_51 = arith.constant 8 : i32
      %mul3A_52 = arith.muli %arg1, %mul3A_51 : i32
      %add3A_53 = arith.addi %mul3A_52, %scan3A_50 : i32
      %lt3A = arith.constant 125 : i32
      %lt3A_54 = arith.cmpi slt, %add3A_53, %lt3A : i32
      %convert_element_type3A = arith.extui %lt3A_54 : i1 to i32
      %cond3A = arith.constant 0 : i32
      %cond3A_55 = arith.cmpi ne, %convert_element_type3A, %cond3A : i32
      scf.if %cond3A_55 {
        %mul3A_56 = arith.constant 80 : i32
        %mul3A_57 = arith.muli %add3A_53, %mul3A_56 : i32
        "tpu.region"() ({
          %run_scoped3A = tpu.sem_alloc : memref<!tpu.dma_semaphore, #tpu.memory_space<semaphore_mem>>
          %dma_start3A_58 = arith.constant 0 : i32
          %dma_start3A_59 = tpu.memref_slice %arg8[%mul3A_57, %dma_start3A_58] : memref<10000x128xf32, #tpu.memory_space<vmem_shared>> -> memref<80x128xf32, #tpu.memory_space<vmem_shared>>
          %dma_start3A_60 = arith.constant 0 : i32
          %dma_start3A_61 = tpu.memref_slice %arg8[%mul3A_57, %dma_start3A_60] : memref<10000x128xf32, #tpu.memory_space<vmem_shared>> -> memref<80x128xf32, #tpu.memory_space<vmem_shared>>
          tpu.enqueue_dma source(%arg7 : memref<80x128xf32, #tpu.memory_space<vmem>>) target(%dma_start3A_61 : memref<80x128xf32, #tpu.memory_space<vmem_shared>>) target_semaphore(%run_scoped3A : memref<!tpu.dma_semaphore, #tpu.memory_space<semaphore_mem>>)
          %dma_wait3A = arith.constant 0 : i32
          %dma_wait3A_62 = tpu.memref_slice %arg8[%mul3A_57, %dma_wait3A] : memref<10000x128xf32, #tpu.memory_space<vmem_shared>> -> memref<80x128xf32, #tpu.memory_space<vmem_shared>>
          %dma_wait3A_63 = arith.constant 0 : i32
          %dma_wait3A_64 = tpu.memref_slice %arg8[%mul3A_57, %dma_wait3A_63] : memref<10000x128xf32, #tpu.memory_space<vmem_shared>> -> memref<80x128xf32, #tpu.memory_space<vmem_shared>>
          tpu.wait_dma2 semaphore(%run_scoped3A : memref<!tpu.dma_semaphore, #tpu.memory_space<semaphore_mem>>) src(%arg7 : memref<80x128xf32, #tpu.memory_space<vmem>>) dst(%dma_wait3A_64 : memref<80x128xf32, #tpu.memory_space<vmem_shared>>)
          tpu.yield
        }) : () -> ()
      } else {
      }
    }
    %scan3A_13 = arith.constant 8 : i32
    %barrier3A = arith.constant 0 : index
    tpu.barrier barrier_id(%barrier3A)
    %add3A_14 = arith.constant 0 : i32
    %add3A_15 = arith.addi %mul3A_2, %add3A_14 : i32
    %dma_start3A = arith.constant 0 : i32
    %dma_start3A_16 = arith.constant 0 : i32
    %dma_start3A_17 = tpu.memref_slice %arg5[%dma_start3A, %dma_start3A_16] : memref<2x80xi32, #tpu.memory_space<vmem>> -> memref<1x80xi32, #tpu.memory_space<vmem>>
    %dma_start3A_18 = tpu.memref_squeeze %dma_start3A_17 : memref<1x80xi32, #tpu.memory_space<vmem>> -> memref<80xi32, #tpu.memory_space<vmem>>
    %dma_start3A_19 = tpu.memref_slice %arg3[%add3A_15] : memref<320000xi32, #tpu.memory_space<hbm>> -> memref<80xi32, #tpu.memory_space<hbm>>
    %dma_start3A_20 = arith.constant 0 : i32
    %dma_start3A_21 = tpu.memref_slice %arg5[%dma_start3A, %dma_start3A_20] : memref<2x80xi32, #tpu.memory_space<vmem>> -> memref<1x80xi32, #tpu.memory_space<vmem>>
    %dma_start3A_22 = tpu.memref_squeeze %dma_start3A_21 : memref<1x80xi32, #tpu.memory_space<vmem>> -> memref<80xi32, #tpu.memory_space<vmem>>
    %dma_start3A_23 = tpu.memref_slice %arg3[%add3A_15] : memref<320000xi32, #tpu.memory_space<hbm>> -> memref<80xi32, #tpu.memory_space<hbm>>
    tpu.enqueue_dma source(%dma_start3A_23 : memref<80xi32, #tpu.memory_space<hbm>>) target(%dma_start3A_22 : memref<80xi32, #tpu.memory_space<vmem>>) target_semaphore(%arg9 : memref<!tpu.dma_semaphore, #tpu.memory_space<semaphore_mem>>)
    %dma_start3A_24 = arith.constant 0 : i32
    %dma_start3A_25 = arith.constant 0 : i32
    %dma_start3A_26 = arith.constant 0 : i32
    %dma_start3A_27 = tpu.memref_slice %arg6[%dma_start3A_24, %dma_start3A_25, %dma_start3A_26] : memref<2x80x128xf32, #tpu.memory_space<vmem>> -> memref<1x80x128xf32, #tpu.memory_space<vmem>>
    %dma_start3A_28 = tpu.memref_squeeze %dma_start3A_27 : memref<1x80x128xf32, #tpu.memory_space<vmem>> -> memref<80x128xf32, #tpu.memory_space<vmem>>
    %dma_start3A_29 = arith.constant 0 : i32
    %dma_start3A_30 = tpu.memref_slice %arg2[%add3A_15, %dma_start3A_29] : memref<320000x128xf32, #tpu.memory_space<hbm>> -> memref<80x128xf32, #tpu.memory_space<hbm>>
    %dma_start3A_31 = arith.constant 0 : i32
    %dma_start3A_32 = arith.constant 0 : i32
    %dma_start3A_33 = tpu.memref_slice %arg6[%dma_start3A_24, %dma_start3A_31, %dma_start3A_32] : memref<2x80x128xf32, #tpu.memory_space<vmem>> -> memref<1x80x128xf32, #tpu.memory_space<vmem>>
    %dma_start3A_34 = tpu.memref_squeeze %dma_start3A_33 : memref<1x80x128xf32, #tpu.memory_space<vmem>> -> memref<80x128xf32, #tpu.memory_space<vmem>>
    %dma_start3A_35 = arith.constant 0 : i32
    %dma_start3A_36 = tpu.memref_slice %arg2[%add3A_15, %dma_start3A_35] : memref<320000x128xf32, #tpu.memory_space<hbm>> -> memref<80x128xf32, #tpu.memory_space<hbm>>
    tpu.enqueue_dma source(%dma_start3A_36 : memref<80x128xf32, #tpu.memory_space<hbm>>) target(%dma_start3A_34 : memref<80x128xf32, #tpu.memory_space<vmem>>) target_semaphore(%arg9 : memref<!tpu.dma_semaphore, #tpu.memory_space<semaphore_mem>>)
    %scan3A_37 = arith.constant 0 : i32
    %scan3A_38 = arith.constant 0 : i32
    %scan3A_39 = arith.constant 63 : i32
    %scan3A_40 = arith.addi %scan3A_38, %scan3A_39 : i32
    %scan3A_41 = arith.constant 1 : i32
    scf.for %scan3A_50 = %scan3A_38 to %scan3A_40 step %scan3A_41  : i32 {
      %mul3A_51 = arith.constant 2 : i32
      %mul3A_52 = arith.muli %scan3A_50, %mul3A_51 : i32
      %add3A_53 = arith.constant 0 : i32
      %add3A_54 = arith.addi %mul3A_52, %add3A_53 : i32
      %lt3A = arith.constant 125 : i32
      %lt3A_55 = arith.cmpi slt, %add3A_54, %lt3A : i32
      %convert_element_type3A = arith.extui %lt3A_55 : i1 to i32
      %cond3A = arith.constant 0 : i32
      %cond3A_56 = arith.cmpi ne, %convert_element_type3A, %cond3A : i32
      scf.if %cond3A_56 {
        %add3A_66 = arith.constant 1 : i32
        %add3A_67 = arith.addi %add3A_54, %add3A_66 : i32
        %lt3A_68 = arith.constant 125 : i32
        %lt3A_69 = arith.cmpi slt, %add3A_67, %lt3A_68 : i32
        %convert_element_type3A_70 = arith.extui %lt3A_69 : i1 to i32
        %cond3A_71 = arith.constant 0 : i32
        %cond3A_72 = arith.cmpi ne, %convert_element_type3A_70, %cond3A_71 : i32
        scf.if %cond3A_72 {
          %add3A_95 = arith.constant 1 : i32
          %add3A_96 = arith.addi %add3A_54, %add3A_95 : i32
          %mul3A_97 = arith.constant 80 : i32
          %mul3A_98 = arith.muli %add3A_96, %mul3A_97 : i32
          %add3A_99 = arith.addi %mul3A_2, %mul3A_98 : i32
          %dma_start3A_100 = arith.constant 1 : i32
          %dma_start3A_101 = arith.constant 0 : i32
          %dma_start3A_102 = tpu.memref_slice %arg5[%dma_start3A_100, %dma_start3A_101] : memref<2x80xi32, #tpu.memory_space<vmem>> -> memref<1x80xi32, #tpu.memory_space<vmem>>
          %dma_start3A_103 = tpu.memref_squeeze %dma_start3A_102 : memref<1x80xi32, #tpu.memory_space<vmem>> -> memref<80xi32, #tpu.memory_space<vmem>>
          %dma_start3A_104 = tpu.memref_slice %arg3[%add3A_99] : memref<320000xi32, #tpu.memory_space<hbm>> -> memref<80xi32, #tpu.memory_space<hbm>>
          %dma_start3A_105 = arith.constant 0 : i32
          %dma_start3A_106 = tpu.memref_slice %arg5[%dma_start3A_100, %dma_start3A_105] : memref<2x80xi32, #tpu.memory_space<vmem>> -> memref<1x80xi32, #tpu.memory_space<vmem>>
          %dma_start3A_107 = tpu.memref_squeeze %dma_start3A_106 : memref<1x80xi32, #tpu.memory_space<vmem>> -> memref<80xi32, #tpu.memory_space<vmem>>
          %dma_start3A_108 = tpu.memref_slice %arg3[%add3A_99] : memref<320000xi32, #tpu.memory_space<hbm>> -> memref<80xi32, #tpu.memory_space<hbm>>
          tpu.enqueue_dma source(%dma_start3A_108 : memref<80xi32, #tpu.memory_space<hbm>>) target(%dma_start3A_107 : memref<80xi32, #tpu.memory_space<vmem>>) target_semaphore(%arg10 : memref<!tpu.dma_semaphore, #tpu.memory_space<semaphore_mem>>)
          %dma_start3A_109 = arith.constant 1 : i32
          %dma_start3A_110 = arith.constant 0 : i32
          %dma_start3A_111 = arith.constant 0 : i32
          %dma_start3A_112 = tpu.memref_slice %arg6[%dma_start3A_109, %dma_start3A_110, %dma_start3A_111] : memref<2x80x128xf32, #tpu.memory_space<vmem>> -> memref<1x80x128xf32, #tpu.memory_space<vmem>>
          %dma_start3A_113 = tpu.memref_squeeze %dma_start3A_112 : memref<1x80x128xf32, #tpu.memory_space<vmem>> -> memref<80x128xf32, #tpu.memory_space<vmem>>
          %dma_start3A_114 = arith.constant 0 : i32
          %dma_start3A_115 = tpu.memref_slice %arg2[%add3A_99, %dma_start3A_114] : memref<320000x128xf32, #tpu.memory_space<hbm>> -> memref<80x128xf32, #tpu.memory_space<hbm>>
          %dma_start3A_116 = arith.constant 0 : i32
          %dma_start3A_117 = arith.constant 0 : i32
          %dma_start3A_118 = tpu.memref_slice %arg6[%dma_start3A_109, %dma_start3A_116, %dma_start3A_117] : memref<2x80x128xf32, #tpu.memory_space<vmem>> -> memref<1x80x128xf32, #tpu.memory_space<vmem>>
          %dma_start3A_119 = tpu.memref_squeeze %dma_start3A_118 : memref<1x80x128xf32, #tpu.memory_space<vmem>> -> memref<80x128xf32, #tpu.memory_space<vmem>>
          %dma_start3A_120 = arith.constant 0 : i32
          %dma_start3A_121 = tpu.memref_slice %arg2[%add3A_99, %dma_start3A_120] : memref<320000x128xf32, #tpu.memory_space<hbm>> -> memref<80x128xf32, #tpu.memory_space<hbm>>
          tpu.enqueue_dma source(%dma_start3A_121 : memref<80x128xf32, #tpu.memory_space<hbm>>) target(%dma_start3A_119 : memref<80x128xf32, #tpu.memory_space<vmem>>) target_semaphore(%arg10 : memref<!tpu.dma_semaphore, #tpu.memory_space<semaphore_mem>>)
        } else {
        }
        %dma_wait3A = arith.constant 0 : i32
        %dma_wait3A_73 = arith.constant 0 : i32
        %dma_wait3A_74 = tpu.memref_slice %arg5[%dma_wait3A, %dma_wait3A_73] : memref<2x80xi32, #tpu.memory_space<vmem>> -> memref<1x80xi32, #tpu.memory_space<vmem>>
        %dma_wait3A_75 = tpu.memref_squeeze %dma_wait3A_74 : memref<1x80xi32, #tpu.memory_space<vmem>> -> memref<80xi32, #tpu.memory_space<vmem>>
        %dma_wait3A_76 = tpu.memref_slice %arg3[%mul3A_2] : memref<320000xi32, #tpu.memory_space<hbm>> -> memref<80xi32, #tpu.memory_space<hbm>>
        %dma_wait3A_77 = arith.constant 0 : i32
        %dma_wait3A_78 = tpu.memref_slice %arg5[%dma_wait3A, %dma_wait3A_77] : memref<2x80xi32, #tpu.memory_space<vmem>> -> memref<1x80xi32, #tpu.memory_space<vmem>>
        %dma_wait3A_79 = tpu.memref_squeeze %dma_wait3A_78 : memref<1x80xi32, #tpu.memory_space<vmem>> -> memref<80xi32, #tpu.memory_space<vmem>>
        %dma_wait3A_80 = tpu.memref_slice %arg3[%mul3A_2] : memref<320000xi32, #tpu.memory_space<hbm>> -> memref<80xi32, #tpu.memory_space<hbm>>
        tpu.wait_dma2 semaphore(%arg9 : memref<!tpu.dma_semaphore, #tpu.memory_space<semaphore_mem>>) src(%dma_wait3A_80 : memref<80xi32, #tpu.memory_space<hbm>>) dst(%dma_wait3A_79 : memref<80xi32, #tpu.memory_space<vmem>>)
        %dma_wait3A_81 = arith.constant 0 : i32
        %dma_wait3A_82 = arith.constant 0 : i32
        %dma_wait3A_83 = arith.constant 0 : i32
        %dma_wait3A_84 = tpu.memref_slice %arg6[%dma_wait3A_81, %dma_wait3A_82, %dma_wait3A_83] : memref<2x80x128xf32, #tpu.memory_space<vmem>> -> memref<1x80x128xf32, #tpu.memory_space<vmem>>
        %dma_wait3A_85 = tpu.memref_squeeze %dma_wait3A_84 : memref<1x80x128xf32, #tpu.memory_space<vmem>> -> memref<80x128xf32, #tpu.memory_space<vmem>>
        %dma_wait3A_86 = arith.constant 0 : i32
        %dma_wait3A_87 = tpu.memref_slice %arg2[%mul3A_2, %dma_wait3A_86] : memref<320000x128xf32, #tpu.memory_space<hbm>> -> memref<80x128xf32, #tpu.memory_space<hbm>>
        %dma_wait3A_88 = arith.constant 0 : i32
        %dma_wait3A_89 = arith.constant 0 : i32
        %dma_wait3A_90 = tpu.memref_slice %arg6[%dma_wait3A_81, %dma_wait3A_88, %dma_wait3A_89] : memref<2x80x128xf32, #tpu.memory_space<vmem>> -> memref<1x80x128xf32, #tpu.memory_space<vmem>>
        %dma_wait3A_91 = tpu.memref_squeeze %dma_wait3A_90 : memref<1x80x128xf32, #tpu.memory_space<vmem>> -> memref<80x128xf32, #tpu.memory_space<vmem>>
        %dma_wait3A_92 = arith.constant 0 : i32
        %dma_wait3A_93 = tpu.memref_slice %arg2[%mul3A_2, %dma_wait3A_92] : memref<320000x128xf32, #tpu.memory_space<hbm>> -> memref<80x128xf32, #tpu.memory_space<hbm>>
        tpu.wait_dma2 semaphore(%arg9 : memref<!tpu.dma_semaphore, #tpu.memory_space<semaphore_mem>>) src(%dma_wait3A_93 : memref<80x128xf32, #tpu.memory_space<hbm>>) dst(%dma_wait3A_91 : memref<80x128xf32, #tpu.memory_space<vmem>>)
        %run_scoped3A = arith.constant 0 : i32
        %run_scoped3A_94 = arith.constant 0 : i32
        "tpu.region"() ({
          %run_scoped3A_95 = tpu.sem_alloc : memref<!tpu.dma_semaphore, #tpu.memory_space<semaphore_mem>>
          %dma_start3A_96 = arith.constant 0 : i32
          %dma_start3A_97 = arith.constant 0 : i32
          %dma_start3A_98 = tpu.memref_slice %arg6[%run_scoped3A, %dma_start3A_96, %dma_start3A_97] : memref<2x80x128xf32, #tpu.memory_space<vmem>> -> memref<1x80x128xf32, #tpu.memory_space<vmem>>
          %dma_start3A_99 = tpu.memref_squeeze %dma_start3A_98 : memref<1x80x128xf32, #tpu.memory_space<vmem>> -> memref<80x128xf32, #tpu.memory_space<vmem>>
          %dma_start3A_100 = arith.constant 0 : i32
          %dma_start3A_101 = tpu.memref_slice %arg5[%run_scoped3A_94, %dma_start3A_100] : memref<2x80xi32, #tpu.memory_space<vmem>> -> memref<1x80xi32, #tpu.memory_space<vmem>>
          %dma_start3A_102 = tpu.memref_squeeze %dma_start3A_101 : memref<1x80xi32, #tpu.memory_space<vmem>> -> memref<80xi32, #tpu.memory_space<vmem>>
          %dma_start3A_103 = arith.constant 0 : i32
          %dma_start3A_104 = arith.constant 0 : i32
          %dma_start3A_105 = tpu.memref_slice %arg8[%dma_start3A_103, %dma_start3A_104] : memref<10000x128xf32, #tpu.memory_space<vmem_shared>> -> memref<10000x128xf32, #tpu.memory_space<vmem_shared>>
          tpu.enqueue_indirect_dma source(%dma_start3A_99 : memref<80x128xf32, #tpu.memory_space<vmem>>) target(%dma_start3A_105 : memref<10000x128xf32, #tpu.memory_space<vmem_shared>>) offsets(%dma_start3A_102 : memref<80xi32, #tpu.memory_space<vmem>>) semaphore(%run_scoped3A_95 : memref<!tpu.dma_semaphore, #tpu.memory_space<semaphore_mem>>) {add = true}
          %dma_wait3A_106 = arith.constant 0 : i32
          %dma_wait3A_107 = arith.constant 0 : i32
          %dma_wait3A_108 = tpu.memref_slice %arg6[%run_scoped3A, %dma_wait3A_106, %dma_wait3A_107] : memref<2x80x128xf32, #tpu.memory_space<vmem>> -> memref<1x80x128xf32, #tpu.memory_space<vmem>>
          %dma_wait3A_109 = tpu.memref_squeeze %dma_wait3A_108 : memref<1x80x128xf32, #tpu.memory_space<vmem>> -> memref<80x128xf32, #tpu.memory_space<vmem>>
          %dma_wait3A_110 = arith.constant 0 : i32
          %dma_wait3A_111 = tpu.memref_slice %arg5[%run_scoped3A_94, %dma_wait3A_110] : memref<2x80xi32, #tpu.memory_space<vmem>> -> memref<1x80xi32, #tpu.memory_space<vmem>>
          %dma_wait3A_112 = tpu.memref_squeeze %dma_wait3A_111 : memref<1x80xi32, #tpu.memory_space<vmem>> -> memref<80xi32, #tpu.memory_space<vmem>>
          %dma_wait3A_113 = arith.constant 0 : i32
          %dma_wait3A_114 = arith.constant 0 : i32
          %dma_wait3A_115 = tpu.memref_slice %arg8[%dma_wait3A_113, %dma_wait3A_114] : memref<10000x128xf32, #tpu.memory_space<vmem_shared>> -> memref<10000x128xf32, #tpu.memory_space<vmem_shared>>
          tpu.wait_indirect_dma semaphore(%run_scoped3A_95 : memref<!tpu.dma_semaphore, #tpu.memory_space<semaphore_mem>>) src(%dma_wait3A_109 : memref<80x128xf32, #tpu.memory_space<vmem>>) dst(%dma_wait3A_115 : memref<10000x128xf32, #tpu.memory_space<vmem_shared>>)
          tpu.yield
        }) : () -> ()
      } else {
      }
      %mul3A_57 = arith.constant 2 : i32
      %mul3A_58 = arith.muli %scan3A_50, %mul3A_57 : i32
      %add3A_59 = arith.constant 1 : i32
      %add3A_60 = arith.addi %mul3A_58, %add3A_59 : i32
      %lt3A_61 = arith.constant 125 : i32
      %lt3A_62 = arith.cmpi slt, %add3A_60, %lt3A_61 : i32
      %convert_element_type3A_63 = arith.extui %lt3A_62 : i1 to i32
      %cond3A_64 = arith.constant 0 : i32
      %cond3A_65 = arith.cmpi ne, %convert_element_type3A_63, %cond3A_64 : i32
      scf.if %cond3A_65 {
        %add3A_66 = arith.constant 1 : i32
        %add3A_67 = arith.addi %add3A_60, %add3A_66 : i32
        %lt3A_68 = arith.constant 125 : i32
        %lt3A_69 = arith.cmpi slt, %add3A_67, %lt3A_68 : i32
        %convert_element_type3A_70 = arith.extui %lt3A_69 : i1 to i32
        %cond3A_71 = arith.constant 0 : i32
        %cond3A_72 = arith.cmpi ne, %convert_element_type3A_70, %cond3A_71 : i32
        scf.if %cond3A_72 {
          %add3A_95 = arith.constant 1 : i32
          %add3A_96 = arith.addi %add3A_60, %add3A_95 : i32
          %mul3A_97 = arith.constant 80 : i32
          %mul3A_98 = arith.muli %add3A_96, %mul3A_97 : i32
          %add3A_99 = arith.addi %mul3A_2, %mul3A_98 : i32
          %dma_start3A_100 = arith.constant 0 : i32
          %dma_start3A_101 = arith.constant 0 : i32
          %dma_start3A_102 = tpu.memref_slice %arg5[%dma_start3A_100, %dma_start3A_101] : memref<2x80xi32, #tpu.memory_space<vmem>> -> memref<1x80xi32, #tpu.memory_space<vmem>>
          %dma_start3A_103 = tpu.memref_squeeze %dma_start3A_102 : memref<1x80xi32, #tpu.memory_space<vmem>> -> memref<80xi32, #tpu.memory_space<vmem>>
          %dma_start3A_104 = tpu.memref_slice %arg3[%add3A_99] : memref<320000xi32, #tpu.memory_space<hbm>> -> memref<80xi32, #tpu.memory_space<hbm>>
          %dma_start3A_105 = arith.constant 0 : i32
          %dma_start3A_106 = tpu.memref_slice %arg5[%dma_start3A_100, %dma_start3A_105] : memref<2x80xi32, #tpu.memory_space<vmem>> -> memref<1x80xi32, #tpu.memory_space<vmem>>
          %dma_start3A_107 = tpu.memref_squeeze %dma_start3A_106 : memref<1x80xi32, #tpu.memory_space<vmem>> -> memref<80xi32, #tpu.memory_space<vmem>>
          %dma_start3A_108 = tpu.memref_slice %arg3[%add3A_99] : memref<320000xi32, #tpu.memory_space<hbm>> -> memref<80xi32, #tpu.memory_space<hbm>>
          tpu.enqueue_dma source(%dma_start3A_108 : memref<80xi32, #tpu.memory_space<hbm>>) target(%dma_start3A_107 : memref<80xi32, #tpu.memory_space<vmem>>) target_semaphore(%arg9 : memref<!tpu.dma_semaphore, #tpu.memory_space<semaphore_mem>>)
          %dma_start3A_109 = arith.constant 0 : i32
          %dma_start3A_110 = arith.constant 0 : i32
          %dma_start3A_111 = arith.constant 0 : i32
          %dma_start3A_112 = tpu.memref_slice %arg6[%dma_start3A_109, %dma_start3A_110, %dma_start3A_111] : memref<2x80x128xf32, #tpu.memory_space<vmem>> -> memref<1x80x128xf32, #tpu.memory_space<vmem>>
          %dma_start3A_113 = tpu.memref_squeeze %dma_start3A_112 : memref<1x80x128xf32, #tpu.memory_space<vmem>> -> memref<80x128xf32, #tpu.memory_space<vmem>>
          %dma_start3A_114 = arith.constant 0 : i32
          %dma_start3A_115 = tpu.memref_slice %arg2[%add3A_99, %dma_start3A_114] : memref<320000x128xf32, #tpu.memory_space<hbm>> -> memref<80x128xf32, #tpu.memory_space<hbm>>
          %dma_start3A_116 = arith.constant 0 : i32
          %dma_start3A_117 = arith.constant 0 : i32
          %dma_start3A_118 = tpu.memref_slice %arg6[%dma_start3A_109, %dma_start3A_116, %dma_start3A_117] : memref<2x80x128xf32, #tpu.memory_space<vmem>> -> memref<1x80x128xf32, #tpu.memory_space<vmem>>
          %dma_start3A_119 = tpu.memref_squeeze %dma_start3A_118 : memref<1x80x128xf32, #tpu.memory_space<vmem>> -> memref<80x128xf32, #tpu.memory_space<vmem>>
          %dma_start3A_120 = arith.constant 0 : i32
          %dma_start3A_121 = tpu.memref_slice %arg2[%add3A_99, %dma_start3A_120] : memref<320000x128xf32, #tpu.memory_space<hbm>> -> memref<80x128xf32, #tpu.memory_space<hbm>>
          tpu.enqueue_dma source(%dma_start3A_121 : memref<80x128xf32, #tpu.memory_space<hbm>>) target(%dma_start3A_119 : memref<80x128xf32, #tpu.memory_space<vmem>>) target_semaphore(%arg9 : memref<!tpu.dma_semaphore, #tpu.memory_space<semaphore_mem>>)
        } else {
        }
        %dma_wait3A = arith.constant 1 : i32
        %dma_wait3A_73 = arith.constant 0 : i32
        %dma_wait3A_74 = tpu.memref_slice %arg5[%dma_wait3A, %dma_wait3A_73] : memref<2x80xi32, #tpu.memory_space<vmem>> -> memref<1x80xi32, #tpu.memory_space<vmem>>
        %dma_wait3A_75 = tpu.memref_squeeze %dma_wait3A_74 : memref<1x80xi32, #tpu.memory_space<vmem>> -> memref<80xi32, #tpu.memory_space<vmem>>
        %dma_wait3A_76 = tpu.memref_slice %arg3[%mul3A_2] : memref<320000xi32, #tpu.memory_space<hbm>> -> memref<80xi32, #tpu.memory_space<hbm>>
        %dma_wait3A_77 = arith.constant 0 : i32
        %dma_wait3A_78 = tpu.memref_slice %arg5[%dma_wait3A, %dma_wait3A_77] : memref<2x80xi32, #tpu.memory_space<vmem>> -> memref<1x80xi32, #tpu.memory_space<vmem>>
        %dma_wait3A_79 = tpu.memref_squeeze %dma_wait3A_78 : memref<1x80xi32, #tpu.memory_space<vmem>> -> memref<80xi32, #tpu.memory_space<vmem>>
        %dma_wait3A_80 = tpu.memref_slice %arg3[%mul3A_2] : memref<320000xi32, #tpu.memory_space<hbm>> -> memref<80xi32, #tpu.memory_space<hbm>>
        tpu.wait_dma2 semaphore(%arg10 : memref<!tpu.dma_semaphore, #tpu.memory_space<semaphore_mem>>) src(%dma_wait3A_80 : memref<80xi32, #tpu.memory_space<hbm>>) dst(%dma_wait3A_79 : memref<80xi32, #tpu.memory_space<vmem>>)
        %dma_wait3A_81 = arith.constant 1 : i32
        %dma_wait3A_82 = arith.constant 0 : i32
        %dma_wait3A_83 = arith.constant 0 : i32
        %dma_wait3A_84 = tpu.memref_slice %arg6[%dma_wait3A_81, %dma_wait3A_82, %dma_wait3A_83] : memref<2x80x128xf32, #tpu.memory_space<vmem>> -> memref<1x80x128xf32, #tpu.memory_space<vmem>>
        %dma_wait3A_85 = tpu.memref_squeeze %dma_wait3A_84 : memref<1x80x128xf32, #tpu.memory_space<vmem>> -> memref<80x128xf32, #tpu.memory_space<vmem>>
        %dma_wait3A_86 = arith.constant 0 : i32
        %dma_wait3A_87 = tpu.memref_slice %arg2[%mul3A_2, %dma_wait3A_86] : memref<320000x128xf32, #tpu.memory_space<hbm>> -> memref<80x128xf32, #tpu.memory_space<hbm>>
        %dma_wait3A_88 = arith.constant 0 : i32
        %dma_wait3A_89 = arith.constant 0 : i32
        %dma_wait3A_90 = tpu.memref_slice %arg6[%dma_wait3A_81, %dma_wait3A_88, %dma_wait3A_89] : memref<2x80x128xf32, #tpu.memory_space<vmem>> -> memref<1x80x128xf32, #tpu.memory_space<vmem>>
        %dma_wait3A_91 = tpu.memref_squeeze %dma_wait3A_90 : memref<1x80x128xf32, #tpu.memory_space<vmem>> -> memref<80x128xf32, #tpu.memory_space<vmem>>
        %dma_wait3A_92 = arith.constant 0 : i32
        %dma_wait3A_93 = tpu.memref_slice %arg2[%mul3A_2, %dma_wait3A_92] : memref<320000x128xf32, #tpu.memory_space<hbm>> -> memref<80x128xf32, #tpu.memory_space<hbm>>
        tpu.wait_dma2 semaphore(%arg10 : memref<!tpu.dma_semaphore, #tpu.memory_space<semaphore_mem>>) src(%dma_wait3A_93 : memref<80x128xf32, #tpu.memory_space<hbm>>) dst(%dma_wait3A_91 : memref<80x128xf32, #tpu.memory_space<vmem>>)
        %run_scoped3A = arith.constant 1 : i32
        %run_scoped3A_94 = arith.constant 1 : i32
        "tpu.region"() ({
          %run_scoped3A_95 = tpu.sem_alloc : memref<!tpu.dma_semaphore, #tpu.memory_space<semaphore_mem>>
          %dma_start3A_96 = arith.constant 0 : i32
          %dma_start3A_97 = arith.constant 0 : i32
          %dma_start3A_98 = tpu.memref_slice %arg6[%run_scoped3A, %dma_start3A_96, %dma_start3A_97] : memref<2x80x128xf32, #tpu.memory_space<vmem>> -> memref<1x80x128xf32, #tpu.memory_space<vmem>>
          %dma_start3A_99 = tpu.memref_squeeze %dma_start3A_98 : memref<1x80x128xf32, #tpu.memory_space<vmem>> -> memref<80x128xf32, #tpu.memory_space<vmem>>
          %dma_start3A_100 = arith.constant 0 : i32
          %dma_start3A_101 = tpu.memref_slice %arg5[%run_scoped3A_94, %dma_start3A_100] : memref<2x80xi32, #tpu.memory_space<vmem>> -> memref<1x80xi32, #tpu.memory_space<vmem>>
          %dma_start3A_102 = tpu.memref_squeeze %dma_start3A_101 : memref<1x80xi32, #tpu.memory_space<vmem>> -> memref<80xi32, #tpu.memory_space<vmem>>
          %dma_start3A_103 = arith.constant 0 : i32
          %dma_start3A_104 = arith.constant 0 : i32
          %dma_start3A_105 = tpu.memref_slice %arg8[%dma_start3A_103, %dma_start3A_104] : memref<10000x128xf32, #tpu.memory_space<vmem_shared>> -> memref<10000x128xf32, #tpu.memory_space<vmem_shared>>
          tpu.enqueue_indirect_dma source(%dma_start3A_99 : memref<80x128xf32, #tpu.memory_space<vmem>>) target(%dma_start3A_105 : memref<10000x128xf32, #tpu.memory_space<vmem_shared>>) offsets(%dma_start3A_102 : memref<80xi32, #tpu.memory_space<vmem>>) semaphore(%run_scoped3A_95 : memref<!tpu.dma_semaphore, #tpu.memory_space<semaphore_mem>>) {add = true}
          %dma_wait3A_106 = arith.constant 0 : i32
          %dma_wait3A_107 = arith.constant 0 : i32
          %dma_wait3A_108 = tpu.memref_slice %arg6[%run_scoped3A, %dma_wait3A_106, %dma_wait3A_107] : memref<2x80x128xf32, #tpu.memory_space<vmem>> -> memref<1x80x128xf32, #tpu.memory_space<vmem>>
          %dma_wait3A_109 = tpu.memref_squeeze %dma_wait3A_108 : memref<1x80x128xf32, #tpu.memory_space<vmem>> -> memref<80x128xf32, #tpu.memory_space<vmem>>
          %dma_wait3A_110 = arith.constant 0 : i32
          %dma_wait3A_111 = tpu.memref_slice %arg5[%run_scoped3A_94, %dma_wait3A_110] : memref<2x80xi32, #tpu.memory_space<vmem>> -> memref<1x80xi32, #tpu.memory_space<vmem>>
          %dma_wait3A_112 = tpu.memref_squeeze %dma_wait3A_111 : memref<1x80xi32, #tpu.memory_space<vmem>> -> memref<80xi32, #tpu.memory_space<vmem>>
          %dma_wait3A_113 = arith.constant 0 : i32
          %dma_wait3A_114 = arith.constant 0 : i32
          %dma_wait3A_115 = tpu.memref_slice %arg8[%dma_wait3A_113, %dma_wait3A_114] : memref<10000x128xf32, #tpu.memory_space<vmem_shared>> -> memref<10000x128xf32, #tpu.memory_space<vmem_shared>>
          tpu.wait_indirect_dma semaphore(%run_scoped3A_95 : memref<!tpu.dma_semaphore, #tpu.memory_space<semaphore_mem>>) src(%dma_wait3A_109 : memref<80x128xf32, #tpu.memory_space<vmem>>) dst(%dma_wait3A_115 : memref<10000x128xf32, #tpu.memory_space<vmem_shared>>)
          tpu.yield
        }) : () -> ()
      } else {
      }
    }
    %scan3A_42 = arith.constant 63 : i32
    %barrier3A_43 = arith.constant 0 : index
    tpu.barrier barrier_id(%barrier3A_43)
    %scan3A_44 = arith.constant 0 : i32
    %scan3A_45 = arith.constant 0 : i32
    %scan3A_46 = arith.constant 8 : i32
    %scan3A_47 = arith.addi %scan3A_45, %scan3A_46 : i32
    %scan3A_48 = arith.constant 1 : i32
    scf.for %scan3A_50 = %scan3A_45 to %scan3A_47 step %scan3A_48  : i32 {
      %mul3A_51 = arith.constant 8 : i32
      %mul3A_52 = arith.muli %arg1, %mul3A_51 : i32
      %add3A_53 = arith.addi %mul3A_52, %scan3A_50 : i32
      %lt3A = arith.constant 125 : i32
      %lt3A_54 = arith.cmpi slt, %add3A_53, %lt3A : i32
      %convert_element_type3A = arith.extui %lt3A_54 : i1 to i32
      %cond3A = arith.constant 0 : i32
      %cond3A_55 = arith.cmpi ne, %convert_element_type3A, %cond3A : i32
      scf.if %cond3A_55 {
        %mul3A_56 = arith.constant 80 : i32
        %mul3A_57 = arith.muli %add3A_53, %mul3A_56 : i32
        %mul3A_58 = arith.constant 80 : i32
        %mul3A_59 = arith.muli %add3A_53, %mul3A_58 : i32
        "tpu.region"() ({
          %run_scoped3A = tpu.sem_alloc : memref<!tpu.dma_semaphore, #tpu.memory_space<semaphore_mem>>
          %dma_start3A_60 = arith.constant 0 : i32
          %dma_start3A_61 = tpu.memref_slice %arg4[%arg0, %mul3A_59, %dma_start3A_60] : memref<2x10000x128xf32, #tpu.memory_space<hbm>> -> memref<1x80x128xf32, #tpu.memory_space<hbm>>
          %dma_start3A_62 = tpu.memref_squeeze %dma_start3A_61 : memref<1x80x128xf32, #tpu.memory_space<hbm>> -> memref<80x128xf32, #tpu.memory_space<hbm>>
          %dma_start3A_63 = arith.constant 0 : i32
          %dma_start3A_64 = tpu.memref_slice %arg8[%mul3A_57, %dma_start3A_63] : memref<10000x128xf32, #tpu.memory_space<vmem_shared>> -> memref<80x128xf32, #tpu.memory_space<vmem_shared>>
          tpu.enqueue_dma source(%dma_start3A_64 : memref<80x128xf32, #tpu.memory_space<vmem_shared>>) target(%dma_start3A_62 : memref<80x128xf32, #tpu.memory_space<hbm>>) target_semaphore(%run_scoped3A : memref<!tpu.dma_semaphore, #tpu.memory_space<semaphore_mem>>)
          %dma_wait3A = arith.constant 0 : i32
          %dma_wait3A_65 = tpu.memref_slice %arg4[%arg0, %mul3A_59, %dma_wait3A] : memref<2x10000x128xf32, #tpu.memory_space<hbm>> -> memref<1x80x128xf32, #tpu.memory_space<hbm>>
          %dma_wait3A_66 = tpu.memref_squeeze %dma_wait3A_65 : memref<1x80x128xf32, #tpu.memory_space<hbm>> -> memref<80x128xf32, #tpu.memory_space<hbm>>
          %dma_wait3A_67 = arith.constant 0 : i32
          %dma_wait3A_68 = tpu.memref_slice %arg8[%mul3A_57, %dma_wait3A_67] : memref<10000x128xf32, #tpu.memory_space<vmem_shared>> -> memref<80x128xf32, #tpu.memory_space<vmem_shared>>
          tpu.wait_dma2 semaphore(%run_scoped3A : memref<!tpu.dma_semaphore, #tpu.memory_space<semaphore_mem>>) src(%dma_wait3A_68 : memref<80x128xf32, #tpu.memory_space<vmem_shared>>) dst(%dma_wait3A_66 : memref<80x128xf32, #tpu.memory_space<hbm>>)
          tpu.yield
        }) : () -> ()
      } else {
      }
    }
    %scan3A_49 = arith.constant 8 : i32
    return
  }
}

module attributes {stable_mosaic.version = 14 : i64} {
  func.func @_tables_body(%arg0: i32, %arg1: memref<1000x128xf32, #tpu.memory_space<vmem>>, %arg2: memref<128x128xf32, #tpu.memory_space<vmem>>, %arg3: memref<128x128xf32, #tpu.memory_space<vmem>>, %arg4: memref<1x128xf32, #tpu.memory_space<vmem>>, %arg5: memref<1000x128xf32, #tpu.memory_space<vmem>>, %arg6: memref<1000x128xf32, #tpu.memory_space<vmem>>) attributes {dimension_semantics = [#tpu.dimension_semantics<arbitrary>], iteration_bounds = array<i64: 10>, scalar_prefetch = 0 : i64, scratch_operands = 0 : i64, tpu.core_type = #tpu.core_type<tc>, window_params = [{transform_indices = @transform_0, window_bounds = array<i64: 1000, 128>}, {pipeline_mode = #tpu.pipeline_mode<synchronous>, transform_indices = @transform_1, window_bounds = array<i64: 128, 128>}, {pipeline_mode = #tpu.pipeline_mode<synchronous>, transform_indices = @transform_2, window_bounds = array<i64: 128, 128>}, {pipeline_mode = #tpu.pipeline_mode<synchronous>, transform_indices = @transform_3, window_bounds = array<i64: 1, 128>}, {transform_indices = @transform_4, window_bounds = array<i64: 1000, 128>}, {transform_indices = @transform_5, window_bounds = array<i64: 1000, 128>}]} {
    %get3A = arith.constant 0 : index
    %get3A_0 = arith.constant 0 : index
    %get3A_1 = vector.load %arg1[%get3A, %get3A_0] : memref<1000x128xf32, #tpu.memory_space<vmem>>, vector<1000x128xf32>
    %get3A_2 = arith.constant 0 : index
    %get3A_3 = arith.constant 0 : index
    %get3A_4 = vector.load %arg2[%get3A_2, %get3A_3] : memref<128x128xf32, #tpu.memory_space<vmem>>, vector<128x128xf32>
    %dot_general3A = arith.constant dense<0.000000e+00> : vector<1000x128xf32>
    %dot_general3A_5 = tpu.matmul %get3A_1, %get3A_4, %dot_general3A {dimension_numbers = #tpu.dot_dimension_numbers<[1], [0], [0], [1], [0, 0, 1, 1], [], []>, transpose_lhs_hint = false} : vector<1000x128xf32>, vector<128x128xf32>, vector<1000x128xf32> -> vector<1000x128xf32>
    %swap3A = arith.constant 0 : index
    %swap3A_6 = arith.constant 0 : index
    %swap3A_7 = vector.load %arg5[%swap3A, %swap3A_6] : memref<1000x128xf32, #tpu.memory_space<vmem>>, vector<1000x128xf32>
    tpu.vector_store %arg5[%swap3A, %swap3A_6], %dot_general3A_5 {strides = array<i32>} : memref<1000x128xf32, #tpu.memory_space<vmem>>, vector<1000x128xf32>,
    %get3A_8 = arith.constant 0 : index
    %get3A_9 = arith.constant 0 : index
    %get3A_10 = vector.load %arg3[%get3A_8, %get3A_9] : memref<128x128xf32, #tpu.memory_space<vmem>>, vector<128x128xf32>
    %dot_general3A_11 = arith.constant dense<0.000000e+00> : vector<1000x128xf32>
    %dot_general3A_12 = tpu.matmul %get3A_1, %get3A_10, %dot_general3A_11 {dimension_numbers = #tpu.dot_dimension_numbers<[1], [0], [0], [1], [0, 0, 1, 1], [], []>, transpose_lhs_hint = false} : vector<1000x128xf32>, vector<128x128xf32>, vector<1000x128xf32> -> vector<1000x128xf32>
    %get3A_13 = arith.constant 0 : index
    %get3A_14 = arith.constant 0 : index
    %get3A_15 = vector.load %arg4[%get3A_13, %get3A_14] : memref<1x128xf32, #tpu.memory_space<vmem>>, vector<1x128xf32>
    %add3A = vector.broadcast %get3A_15 : vector<1x128xf32> to vector<1000x128xf32>
    %add3A_16 = arith.addf %dot_general3A_12, %add3A : vector<1000x128xf32>
    %swap3A_17 = arith.constant 0 : index
    %swap3A_18 = arith.constant 0 : index
    %swap3A_19 = vector.load %arg6[%swap3A_17, %swap3A_18] : memref<1000x128xf32, #tpu.memory_space<vmem>>, vector<1000x128xf32>
    tpu.vector_store %arg6[%swap3A_17, %swap3A_18], %add3A_16 {strides = array<i32>} : memref<1000x128xf32, #tpu.memory_space<vmem>>, vector<1000x128xf32>,
    return
  }
  func.func @transform_0(%arg0: i32) -> (i32, i32) {
    %c0_i32 = arith.constant 0 : i32
    %c0_i32_0 = arith.constant 0 : i32
    return %arg0, %c0_i32 : i32, i32
  }
  func.func @transform_1(%arg0: i32) -> (i32, i32) {
    %c0_i32 = arith.constant 0 : i32
    %c0_i32_0 = arith.constant 0 : i32
    %c0_i32_1 = arith.constant 0 : i32
    return %c0_i32, %c0_i32_0 : i32, i32
  }
  func.func @transform_2(%arg0: i32) -> (i32, i32) {
    %c0_i32 = arith.constant 0 : i32
    %c0_i32_0 = arith.constant 0 : i32
    %c0_i32_1 = arith.constant 0 : i32
    return %c0_i32, %c0_i32_0 : i32, i32
  }
  func.func @transform_3(%arg0: i32) -> (i32, i32) {
    %c0_i32 = arith.constant 0 : i32
    %c0_i32_0 = arith.constant 0 : i32
    %c0_i32_1 = arith.constant 0 : i32
    return %c0_i32, %c0_i32_0 : i32, i32
  }
  func.func @transform_4(%arg0: i32) -> (i32, i32) {
    %c0_i32 = arith.constant 0 : i32
    %c0_i32_0 = arith.constant 0 : i32
    return %arg0, %c0_i32 : i32, i32
  }
  func.func @transform_5(%arg0: i32) -> (i32, i32) {
    %c0_i32 = arith.constant 0 : i32
    %c0_i32_0 = arith.constant 0 : i32
    return %arg0, %c0_i32 : i32, i32
  }
}

module attributes {stable_mosaic.version = 14 : i64} {
  func.func @_edge_body(%arg0: i32, %arg1: memref<2000x128xf32, #tpu.memory_space<vmem>>, %arg2: memref<2000x16xf32, #tpu.memory_space<vmem>>, %arg3: memref<2000x1xf32, #tpu.memory_space<vmem>>, %arg4: memref<16x128xf32, #tpu.memory_space<vmem>>, %arg5: memref<128x128xf32, #tpu.memory_space<vmem>>, %arg6: memref<1x128xf32, #tpu.memory_space<vmem>>, %arg7: memref<2000x128xf32, #tpu.memory_space<vmem>>) attributes {dimension_semantics = [#tpu.dimension_semantics<arbitrary>], iteration_bounds = array<i64: 160>, scalar_prefetch = 0 : i64, scratch_operands = 0 : i64, tpu.core_type = #tpu.core_type<tc>, window_params = [{transform_indices = @transform_0, window_bounds = array<i64: 2000, 128>}, {transform_indices = @transform_1, window_bounds = array<i64: 2000, 16>}, {transform_indices = @transform_2, window_bounds = array<i64: 2000, 1>}, {pipeline_mode = #tpu.pipeline_mode<synchronous>, transform_indices = @transform_3, window_bounds = array<i64: 16, 128>}, {pipeline_mode = #tpu.pipeline_mode<synchronous>, transform_indices = @transform_4, window_bounds = array<i64: 128, 128>}, {pipeline_mode = #tpu.pipeline_mode<synchronous>, transform_indices = @transform_5, window_bounds = array<i64: 1, 128>}, {transform_indices = @transform_6, window_bounds = array<i64: 2000, 128>}]} {
    %get3A = arith.constant 0 : index
    %get3A_0 = arith.constant 0 : index
    %get3A_1 = vector.load %arg1[%get3A, %get3A_0] : memref<2000x128xf32, #tpu.memory_space<vmem>>, vector<2000x128xf32>
    %get3A_2 = arith.constant 0 : index
    %get3A_3 = arith.constant 0 : index
    %get3A_4 = vector.load %arg2[%get3A_2, %get3A_3] : memref<2000x16xf32, #tpu.memory_space<vmem>>, vector<2000x16xf32>
    %get3A_5 = arith.constant 0 : index
    %get3A_6 = arith.constant 0 : index
    %get3A_7 = vector.load %arg4[%get3A_5, %get3A_6] : memref<16x128xf32, #tpu.memory_space<vmem>>, vector<16x128xf32>
    %dot_general3A = arith.constant dense<0.000000e+00> : vector<2000x128xf32>
    %dot_general3A_8 = tpu.matmul %get3A_4, %get3A_7, %dot_general3A {dimension_numbers = #tpu.dot_dimension_numbers<[1], [0], [0], [1], [0, 0, 1, 1], [], []>, transpose_lhs_hint = false} : vector<2000x16xf32>, vector<16x128xf32>, vector<2000x128xf32> -> vector<2000x128xf32>
    %add3A = arith.addf %get3A_1, %dot_general3A_8 : vector<2000x128xf32>
    %max3A = arith.constant 0.000000e+00 : f32
    %max3A_9 = vector.broadcast %max3A : f32 to vector<2000x128xf32>
    %max3A_10 = arith.maximumf %add3A, %max3A_9 : vector<2000x128xf32>
    %get3A_11 = arith.constant 0 : index
    %get3A_12 = arith.constant 0 : index
    %get3A_13 = vector.load %arg5[%get3A_11, %get3A_12] : memref<128x128xf32, #tpu.memory_space<vmem>>, vector<128x128xf32>
    %dot_general3A_14 = arith.constant dense<0.000000e+00> : vector<2000x128xf32>
    %dot_general3A_15 = tpu.matmul %max3A_10, %get3A_13, %dot_general3A_14 {dimension_numbers = #tpu.dot_dimension_numbers<[1], [0], [0], [1], [0, 0, 1, 1], [], []>, transpose_lhs_hint = false} : vector<2000x128xf32>, vector<128x128xf32>, vector<2000x128xf32> -> vector<2000x128xf32>
    %get3A_16 = arith.constant 0 : index
    %get3A_17 = arith.constant 0 : index
    %get3A_18 = vector.load %arg6[%get3A_16, %get3A_17] : memref<1x128xf32, #tpu.memory_space<vmem>>, vector<1x128xf32>
    %add3A_19 = vector.broadcast %get3A_18 : vector<1x128xf32> to vector<2000x128xf32>
    %add3A_20 = arith.addf %dot_general3A_15, %add3A_19 : vector<2000x128xf32>
    %get3A_21 = arith.constant 0 : index
    %get3A_22 = arith.constant 0 : index
    %get3A_23 = vector.load %arg3[%get3A_21, %get3A_22] : memref<2000x1xf32, #tpu.memory_space<vmem>>, vector<2000x1xf32>
    %mul3A = vector.broadcast %get3A_23 : vector<2000x1xf32> to vector<2000x128xf32>
    %mul3A_24 = arith.mulf %add3A_20, %mul3A : vector<2000x128xf32>
    %swap3A = arith.constant 0 : index
    %swap3A_25 = arith.constant 0 : index
    %swap3A_26 = vector.load %arg7[%swap3A, %swap3A_25] : memref<2000x128xf32, #tpu.memory_space<vmem>>, vector<2000x128xf32>
    tpu.vector_store %arg7[%swap3A, %swap3A_25], %mul3A_24 {strides = array<i32>} : memref<2000x128xf32, #tpu.memory_space<vmem>>, vector<2000x128xf32>,
    return
  }
  func.func @transform_0(%arg0: i32) -> (i32, i32) {
    %c0_i32 = arith.constant 0 : i32
    %c0_i32_0 = arith.constant 0 : i32
    return %arg0, %c0_i32 : i32, i32
  }
  func.func @transform_1(%arg0: i32) -> (i32, i32) {
    %c0_i32 = arith.constant 0 : i32
    %c0_i32_0 = arith.constant 0 : i32
    return %arg0, %c0_i32 : i32, i32
  }
  func.func @transform_2(%arg0: i32) -> (i32, i32) {
    %c0_i32 = arith.constant 0 : i32
    %c0_i32_0 = arith.constant 0 : i32
    return %arg0, %c0_i32 : i32, i32
  }
  func.func @transform_3(%arg0: i32) -> (i32, i32) {
    %c0_i32 = arith.constant 0 : i32
    %c0_i32_0 = arith.constant 0 : i32
    %c0_i32_1 = arith.constant 0 : i32
    return %c0_i32, %c0_i32_0 : i32, i32
  }
  func.func @transform_4(%arg0: i32) -> (i32, i32) {
    %c0_i32 = arith.constant 0 : i32
    %c0_i32_0 = arith.constant 0 : i32
    %c0_i32_1 = arith.constant 0 : i32
    return %c0_i32, %c0_i32_0 : i32, i32
  }
  func.func @transform_5(%arg0: i32) -> (i32, i32) {
    %c0_i32 = arith.constant 0 : i32
    %c0_i32_0 = arith.constant 0 : i32
    %c0_i32_1 = arith.constant 0 : i32
    return %c0_i32, %c0_i32_0 : i32, i32
  }
  func.func @transform_6(%arg0: i32) -> (i32, i32) {
    %c0_i32 = arith.constant 0 : i32
    %c0_i32_0 = arith.constant 0 : i32
    return %arg0, %c0_i32 : i32, i32
  }
}

module attributes {stable_mosaic.version = 14 : i64} {
  func.func @_node_body(%arg0: i32, %arg1: memref<1000x128xf32, #tpu.memory_space<vmem>>, %arg2: memref<1000x128xf32, #tpu.memory_space<vmem>>, %arg3: memref<1000x128xf32, #tpu.memory_space<vmem>>, %arg4: memref<128x128xf32, #tpu.memory_space<vmem>>, %arg5: memref<128x128xf32, #tpu.memory_space<vmem>>, %arg6: memref<1x128xf32, #tpu.memory_space<vmem>>, %arg7: memref<128x128xf32, #tpu.memory_space<vmem>>, %arg8: memref<1x128xf32, #tpu.memory_space<vmem>>, %arg9: memref<1000x128xf32, #tpu.memory_space<vmem>>) attributes {dimension_semantics = [#tpu.dimension_semantics<arbitrary>], iteration_bounds = array<i64: 10>, scalar_prefetch = 0 : i64, scratch_operands = 0 : i64, tpu.core_type = #tpu.core_type<tc>, window_params = [{transform_indices = @transform_0, window_bounds = array<i64: 1000, 128>}, {transform_indices = @transform_1, window_bounds = array<i64: 1000, 128>}, {transform_indices = @transform_2, window_bounds = array<i64: 1000, 128>}, {pipeline_mode = #tpu.pipeline_mode<synchronous>, transform_indices = @transform_3, window_bounds = array<i64: 128, 128>}, {pipeline_mode = #tpu.pipeline_mode<synchronous>, transform_indices = @transform_4, window_bounds = array<i64: 128, 128>}, {pipeline_mode = #tpu.pipeline_mode<synchronous>, transform_indices = @transform_5, window_bounds = array<i64: 1, 128>}, {pipeline_mode = #tpu.pipeline_mode<synchronous>, transform_indices = @transform_6, window_bounds = array<i64: 128, 128>}, {pipeline_mode = #tpu.pipeline_mode<synchronous>, transform_indices = @transform_7, window_bounds = array<i64: 1, 128>}, {transform_indices = @transform_8, window_bounds = array<i64: 1000, 128>}]} {
    %get3A = arith.constant 0 : index
    %get3A_0 = arith.constant 0 : index
    %get3A_1 = vector.load %arg2[%get3A, %get3A_0] : memref<1000x128xf32, #tpu.memory_space<vmem>>, vector<1000x128xf32>
    %get3A_2 = arith.constant 0 : index
    %get3A_3 = arith.constant 0 : index
    %get3A_4 = vector.load %arg3[%get3A_2, %get3A_3] : memref<1000x128xf32, #tpu.memory_space<vmem>>, vector<1000x128xf32>
    %add3A = arith.addf %get3A_1, %get3A_4 : vector<1000x128xf32>
    %get3A_5 = arith.constant 0 : index
    %get3A_6 = arith.constant 0 : index
    %get3A_7 = vector.load %arg1[%get3A_5, %get3A_6] : memref<1000x128xf32, #tpu.memory_space<vmem>>, vector<1000x128xf32>
    %get3A_8 = arith.constant 0 : index
    %get3A_9 = arith.constant 0 : index
    %get3A_10 = vector.load %arg4[%get3A_8, %get3A_9] : memref<128x128xf32, #tpu.memory_space<vmem>>, vector<128x128xf32>
    %dot_general3A = arith.constant dense<0.000000e+00> : vector<1000x128xf32>
    %dot_general3A_11 = tpu.matmul %get3A_7, %get3A_10, %dot_general3A {dimension_numbers = #tpu.dot_dimension_numbers<[1], [0], [0], [1], [0, 0, 1, 1], [], []>, transpose_lhs_hint = false} : vector<1000x128xf32>, vector<128x128xf32>, vector<1000x128xf32> -> vector<1000x128xf32>
    %get3A_12 = arith.constant 0 : index
    %get3A_13 = arith.constant 0 : index
    %get3A_14 = vector.load %arg5[%get3A_12, %get3A_13] : memref<128x128xf32, #tpu.memory_space<vmem>>, vector<128x128xf32>
    %dot_general3A_15 = arith.constant dense<0.000000e+00> : vector<1000x128xf32>
    %dot_general3A_16 = tpu.matmul %add3A, %get3A_14, %dot_general3A_15 {dimension_numbers = #tpu.dot_dimension_numbers<[1], [0], [0], [1], [0, 0, 1, 1], [], []>, transpose_lhs_hint = false} : vector<1000x128xf32>, vector<128x128xf32>, vector<1000x128xf32> -> vector<1000x128xf32>
    %add3A_17 = arith.addf %dot_general3A_11, %dot_general3A_16 : vector<1000x128xf32>
    %get3A_18 = arith.constant 0 : index
    %get3A_19 = arith.constant 0 : index
    %get3A_20 = vector.load %arg6[%get3A_18, %get3A_19] : memref<1x128xf32, #tpu.memory_space<vmem>>, vector<1x128xf32>
    %add3A_21 = vector.broadcast %get3A_20 : vector<1x128xf32> to vector<1000x128xf32>
    %add3A_22 = arith.addf %add3A_17, %add3A_21 : vector<1000x128xf32>
    %max3A = arith.constant 0.000000e+00 : f32
    %max3A_23 = vector.broadcast %max3A : f32 to vector<1000x128xf32>
    %max3A_24 = arith.maximumf %add3A_22, %max3A_23 : vector<1000x128xf32>
    %get3A_25 = arith.constant 0 : index
    %get3A_26 = arith.constant 0 : index
    %get3A_27 = vector.load %arg7[%get3A_25, %get3A_26] : memref<128x128xf32, #tpu.memory_space<vmem>>, vector<128x128xf32>
    %dot_general3A_28 = arith.constant dense<0.000000e+00> : vector<1000x128xf32>
    %dot_general3A_29 = tpu.matmul %max3A_24, %get3A_27, %dot_general3A_28 {dimension_numbers = #tpu.dot_dimension_numbers<[1], [0], [0], [1], [0, 0, 1, 1], [], []>, transpose_lhs_hint = false} : vector<1000x128xf32>, vector<128x128xf32>, vector<1000x128xf32> -> vector<1000x128xf32>
    %get3A_30 = arith.constant 0 : index
    %get3A_31 = arith.constant 0 : index
    %get3A_32 = vector.load %arg8[%get3A_30, %get3A_31] : memref<1x128xf32, #tpu.memory_space<vmem>>, vector<1x128xf32>
    %add3A_33 = vector.broadcast %get3A_32 : vector<1x128xf32> to vector<1000x128xf32>
    %add3A_34 = arith.addf %dot_general3A_29, %add3A_33 : vector<1000x128xf32>
    %swap3A = arith.constant 0 : index
    %swap3A_35 = arith.constant 0 : index
    %swap3A_36 = vector.load %arg9[%swap3A, %swap3A_35] : memref<1000x128xf32, #tpu.memory_space<vmem>>, vector<1000x128xf32>
    tpu.vector_store %arg9[%swap3A, %swap3A_35], %add3A_34 {strides = array<i32>} : memref<1000x128xf32, #tpu.memory_space<vmem>>, vector<1000x128xf32>,
    return
  }
  func.func @transform_0(%arg0: i32) -> (i32, i32) {
    %c0_i32 = arith.constant 0 : i32
    %c0_i32_0 = arith.constant 0 : i32
    return %arg0, %c0_i32 : i32, i32
  }
  func.func @transform_1(%arg0: i32) -> (i32, i32) {
    %c0_i32 = arith.constant 0 : i32
    %c0_i32_0 = arith.constant 0 : i32
    return %arg0, %c0_i32 : i32, i32
  }
  func.func @transform_2(%arg0: i32) -> (i32, i32) {
    %c0_i32 = arith.constant 0 : i32
    %c0_i32_0 = arith.constant 0 : i32
    return %arg0, %c0_i32 : i32, i32
  }
  func.func @transform_3(%arg0: i32) -> (i32, i32) {
    %c0_i32 = arith.constant 0 : i32
    %c0_i32_0 = arith.constant 0 : i32
    %c0_i32_1 = arith.constant 0 : i32
    return %c0_i32, %c0_i32_0 : i32, i32
  }
  func.func @transform_4(%arg0: i32) -> (i32, i32) {
    %c0_i32 = arith.constant 0 : i32
    %c0_i32_0 = arith.constant 0 : i32
    %c0_i32_1 = arith.constant 0 : i32
    return %c0_i32, %c0_i32_0 : i32, i32
  }
  func.func @transform_5(%arg0: i32) -> (i32, i32) {
    %c0_i32 = arith.constant 0 : i32
    %c0_i32_0 = arith.constant 0 : i32
    %c0_i32_1 = arith.constant 0 : i32
    return %c0_i32, %c0_i32_0 : i32, i32
  }
  func.func @transform_6(%arg0: i32) -> (i32, i32) {
    %c0_i32 = arith.constant 0 : i32
    %c0_i32_0 = arith.constant 0 : i32
    %c0_i32_1 = arith.constant 0 : i32
    return %c0_i32, %c0_i32_0 : i32, i32
  }
  func.func @transform_7(%arg0: i32) -> (i32, i32) {
    %c0_i32 = arith.constant 0 : i32
    %c0_i32_0 = arith.constant 0 : i32
    %c0_i32_1 = arith.constant 0 : i32
    return %c0_i32, %c0_i32_0 : i32, i32
  }
  func.func @transform_8(%arg0: i32) -> (i32, i32) {
    %c0_i32 = arith.constant 0 : i32
    %c0_i32_0 = arith.constant 0 : i32
    return %arg0, %c0_i32 : i32, i32
  }
}

</mosaic_0001>

<sc_bundles>
// kernel: kernel.10.cloned.1.call-start
scs
__scs_entry_jumppad:
0x0: {  	(pc) =	sbr.rel $0x88, $3  }
0x1: {  	(tag) =	ssettag $0x0;
	lr =	simm.s32 $0x1  }
0x2: {  	[smem:$0x3F95] =	sst lr;
	_ =	strace $0xD0000000  }
0x3: {  	_ = 	snop  }
0x4: {  	_ = 	snop  }
0x5: {  	_ = 	snop  }
0x6: {  	_ = 	snop  }
0x7: {  	_ = 	snop  }
__scs_overlays_trampoline_lowered:
0x8: {  	[smem:$0x3FA4] =	sst s0  }
0x9: {  	[smem:$0x3FA5] =	sst s1  }
0xa: {  	[smem:$0x3FA6] =	sst s2  }
0xb: {  	[smem:$0x3FA7] =	sst s3  }
0xc: {  	[smem:$0x3FA8] =	sst s4  }
0xd: {  	[smem:$0x3FA9] =	sst s5  }
0xe: {  	[smem:$0x3FAA] =	sst s6  }
0xf: {  	[smem:$0x3FAB] =	sst s7  }
0x10: {  	[smem:$0x3FAC] =	sst s8  }
0x11: {  	[smem:$0x3FAD] =	sst s9;
	s0 =	simm.s32 @!p0 $0x0  }
0x12: {  	s1 =	sld [smem:$0x3F93];
	s0 =	simm.s32 @p0 $0x1  }
0x13: {  	[smem:$0x3FAE] =	sst s0;
	s0 =	simm.s32 @!p1 $0x0  }
0x14: {  	s2 =	sld [smem:$0x3F92];
	s0 =	simm.s32 @p1 $0x1  }
0x15: {  	[smem:$0x3FAF] =	sst s0;
	s0 =	simm.s32 @!p2 $0x0  }
0x16: {  	s3 =	sld [smem:$0x3FDB];
	s0 =	simm.s32 @p2 $0x1  }
0x17: {  	s4 =	simm.s32 $0x1BF5;
	[smem:$0x3FB1] =	sst s0  }
0x18: {  	s0 =	sld [smem:$0x3F94];
	_ =	swait.ge [sflag:s4], $0x0  }
0x19: {  	s7 =	sld [smem:$0x3F95]  }
0x1a: {  	s8 =	sadd.s32 $0xFFFFE003, lr  }
0x1b: {  	s9 =	sadd.s32 $0xFFFFFEF7, lr;
	s5 =	simm.s32 $0xFFFFFFFF;
	p2 =	slt.u32 s8, $0xFFFFF086  }
0x1c: {  	p1 =	slt.u32 s9, $0xF7A;
	s5 =	simm.s32 @!p2 $0x0  }
0x1d: {  	s5 =	simm.s32 @p1 $0x1;
	p0 =	seq.s32 s7, s2  }
0x1e: {  	s7 =	smul.u32 @!p0 $0xF7A, s2;
	p2 =	seq.s32 @!p0 s5, $0x0  }
0x1f: {  	s9 =	smul.u32 $0xF7A, s1;
	s8 =	simm.s32 @!p0 $0x1BF5;
	p2 =	por !p2, p0  }
0x20: {  	[sflag:s8] =	ssyncset.s32 @!p0 $0xFFFFF086;
	s6 =	sadd.s32 @!p0 s3, s7;
	s7 =	simm.s32 @!p0 $0x108  }
0x21: {  	s3 =	sadd.s32 s3, s9;
	s6 =	sadd.s32 @!p0 $0x88, s6;
	s7 =	simm.s32 @p2 $0x1082  }
0x22: {  	[simem:s7], [sflag:s8] =	dma.local @!p0 [hbm:s6], $0xF7A  }
0x23: {  	s9 =	sor.u32 $0xD0000000, s2;
	s6 =	simm.s32 $0x108;
	_ =	swait.ge @!p0 [sflag:s8], $0x0  }
0x24: {  	s3 =	sadd.s32 $0x88, s3;
	s6 =	simm.s32 @!p1 $0x1082;
	[sflag:s4] =	ssyncset.s32 $0xFFFFF086  }
0x25: {  	[simem:s6], [sflag:s4] =	dma.local [hbm:s3], $0xF7A  }
0x26: {  	[smem:$0x3F95] =	sst s1;
	(tag) =	ssettag s2;
	_ =	strace s9  }
0x27: {  	s1 =	sld [smem:$0x3FA5]  }
0x28: {  	s2 =	sld [smem:$0x3FA6]  }
0x29: {  	s4 =	sld [smem:$0x3FA8]  }
0x2a: {  	p0 =	seq.s32 s5, $0x0;
	s5 =	sld [smem:$0x3FA9]  }
0x2b: {  	s6 =	sld [smem:$0x3FAA]  }
0x2c: {  	s7 =	sld [smem:$0x3FAB]  }
0x2d: {  	s3 =	simm.s32 $0x108;
	s8 =	sld [smem:$0x3FAC]  }
0x2e: {  	s3 =	simm.s32 @!p0 $0x1082;
	s9 =	sld [smem:$0x3FAD]  }
0x2f: {  	lr =	sadd.s32 s0, s3;
	s0 =	sld [smem:$0x3FA4]  }
0x30: {  	s3 =	sld [smem:$0x3FA7]  }
0x31: {  	[smem:$0x3FB0] =	sst s10  }
0x32: {  	s10 =	sld [smem:$0x3FAE];
	_ =	sdelay $0x3  }
0x33: {  	p0 =	seq.s32 s10, $0x1;
	s10 =	sld [smem:$0x3FB0];
	_ =	sdelay $0x3  }
0x34: {  	[smem:$0x3FB0] =	sst s10  }
0x35: {  	s10 =	sld [smem:$0x3FAF];
	_ =	sdelay $0x3  }
0x36: {  	p1 =	seq.s32 s10, $0x1;
	s10 =	sld [smem:$0x3FB0];
	_ =	sdelay $0x3  }
0x37: {  	[smem:$0x3FB0] =	sst s10  }
0x38: {  	s10 =	sld [smem:$0x3FB1]  }
0x39: {  	_ = 	snop;
	(pc) =	sbr.ind lr, $3  }
0x3a: {  	_ = 	snop  }
0x3b: {  	_ = 	snop  }
0x3c: {  	p2 =	seq.s32 s10, $0x1;
	s10 =	sld [smem:$0x3FB0]  }
0x3d: {  	_ =	shalt  }
0x3e: {  	_ =	shalt  }
0x3f: {  	_ =	shalt  }
0x40: {  	_ =	shalt  }
0x41: {  	_ =	shalt  }
0x42: {  	_ =	shalt  }
0x43: {  	_ =	shalt  }
0x44: {  	_ =	shalt  }
0x45: {  	_ =	shalt  }
0x46: {  	_ =	shalt  }
0x47: {  	_ =	shalt  }
0x48: {  	_ =	shalt  }
0x49: {  	_ =	shalt  }
0x4a: {  	_ =	shalt  }
0x4b: {  	_ =	shalt  }
0x4c: {  	_ =	shalt  }
0x4d: {  	_ =	shalt  }
0x4e: {  	_ =	shalt  }
0x4f: {  	_ =	shalt  }
0x50: {  	_ =	shalt  }
0x51: {  	_ =	shalt  }
0x52: {  	_ =	shalt  }
0x53: {  	_ =	shalt  }
0x54: {  	_ =	shalt  }
0x55: {  	_ =	shalt  }
0x56: {  	_ =	shalt  }
0x57: {  	_ =	shalt  }
0x58: {  	_ =	shalt  }
0x59: {  	_ =	shalt  }
0x5a: {  	_ =	shalt  }
0x5b: {  	_ =	shalt  }
0x5c: {  	_ =	shalt  }
0x5d: {  	_ =	shalt  }
0x5e: {  	_ =	shalt  }
0x5f: {  	_ =	shalt  }
0x60: {  	_ =	shalt  }
0x61: {  	_ =	shalt  }
0x62: {  	_ =	shalt  }
0x63: {  	_ =	shalt  }
0x64: {  	_ =	shalt  }
0x65: {  	_ =	shalt  }
0x66: {  	_ =	shalt  }
0x67: {  	_ =	shalt  }
0x68: {  	_ =	shalt  }
0x69: {  	_ =	shalt  }
0x6a: {  	_ =	shalt  }
0x6b: {  	_ =	shalt  }
0x6c: {  	_ =	shalt  }
0x6d: {  	_ =	shalt  }
0x6e: {  	_ =	shalt  }
0x6f: {  	_ =	shalt  }
0x70: {  	_ =	shalt  }
0x71: {  	_ =	shalt  }
0x72: {  	_ =	shalt  }
0x73: {  	_ =	shalt  }
0x74: {  	_ =	shalt  }
0x75: {  	_ =	shalt  }
0x76: {  	_ =	shalt  }
0x77: {  	_ =	shalt  }
0x78: {  	_ =	shalt  }
0x79: {  	_ =	shalt  }
0x7a: {  	_ =	shalt  }
0x7b: {  	_ =	shalt  }
0x7c: {  	_ =	shalt  }
0x7d: {  	_ =	shalt  }
0x7e: {  	_ =	shalt  }
0x7f: {  	_ =	shalt  }
0x80: {  	_ =	shalt  }
0x81: {  	_ =	shalt  }
0x82: {  	_ =	shalt  }
0x83: {  	_ =	shalt  }
0x84: {  	_ =	shalt  }
0x85: {  	_ =	shalt  }
0x86: {  	_ =	shalt  }
0x87: {  	_ =	shalt  }
.Lfunc_end0:
.L_simem_size_0:
called_computation.1_lowered:
.L_overlay_start_0:
0x88: {  	s2 =	sld [smem:$0x3FD9]  }
0x89: {  	s3 =	sld [smem:$0x3FFE];
	_ =	sdelay $0x1  }
0x8a: {  	s1 =	srdreg.scid  }
0x8b: {  	s0 =	sand.u32 $0x1, s1  }
0x8c: {  	s14 =	sshll.u32 s0, $0xA;
	s2 =	sadd.s32 s3, s2  }
0x8d: {  	s2 =	sadd.s32 s2, s14  }
0x8e: {  	[smem:$0x3FBC] =	sst s2  }
0x8f: {  	_ = 	snop  }
0x90: {  	s2 =	sld [smem:$0x3FD0];
	_ =	sdelay $0x2  }
0x91: {  	s15 =	simm.s32 $0xA;
	s4 =	simm.s32 $0x10  }
0x92: {  	[smem:s4], [sflag:s15] =	dma.local [hbm:s2], $0x1  }
0x93: {  	_ =	swait.eq [sflag:s15], $0x1  }
0x94: {  	[sflag:s15] =	ssyncset.done $0x0  }
0x95: {  	[sflag:s15] =	ssyncadd.s32 $0xFFFFFFFF  }
0x96: {  	s16 =	sld [smem:$0x11];
	(tm) =	ssettm $0x1  }
0x97: {  	s17 =	sld [smem:$0x3FFB];
	_ =	sdelay $0x3  }
0x98: {  	_ =	strace s17  }
0x99: {  	s3 =	sld [smem:$0x3FFC];
	_ =	sdelay $0x3  }
0x9a: {  	_ =	strace s3  }
0x9b: {  	s3 =	sld [smem:$0x3FFD];
	_ =	sdelay $0x3  }
0x9c: {  	_ =	strace s3  }
0x9d: {  	_ =	strace $0x8FFFFFFF  }
0x9e: {  	s18 =	sld [smem:$0x3FDB];
	_ =	sdelay $0x1  }
0x9f: {  	s19 =	simm.s32 $_scs_section_size  }
0xa0: {  	s5 =	simm.s32 $_size__tile_overlayer_lowered;
	s6 =	simm.s32 $_tile_overlayer_lowered  }
0xa1: {  	s22 =	simm.s32 $0x1BFF;
	s21 =	sshll.u32 s6, $0x1;
	s3 =	sadd.s32 s19, s18  }
0xa2: {  	s7 =	simm.s32 $0x0;
	s20 =	sshll.u32 s5, $0x1;
	s5 =	sadd.s32 s21, s3  }
0xa3: {  	[timem:s7], [sflag:s22] =	dma.local [hbm:s5], s20  }
0xa4: {  	_ =	swait.ge [sflag:s22], s20  }
0xa5: {  	s4 =	ssub.s32 $0x0, s20;
	[sflag:s22] =	ssyncset.done $0x0  }
0xa6: {  	[sflag:s22] =	ssyncadd.s32 s4;
	_ =	sdelay $0x1  }
0xa7: {  	s23 =	simm.s32 $0x1B8B  }
0xa8: {  	_ =	swait.ge [sflag:s23], $0x1  }
0xa9: {  	[sflag:s23] =	ssyncset.done $0x0  }
0xaa: {  	s25 =	simm.s32 $0x1B8E;
	s24 =	sld [smem:$0x3FFE];
	[sflag:s23] =	ssyncadd.s32 $0xFFFFFFFF  }
0xab: {  	s26 =	simm.s32 $execute0_lowered;
	[smem:$0x3FD2] =	sst s25  }
0xac: {  	s5 =	sshll.u32 s26, $0x1;
	_ =	strace $0x80000049;
	[dreg:$0x1] =	wrdreg $0xFFFFFFFF  }
0xad: {  	s28 =	simm.s32 $_size_execute0_lowered;
	s3 =	sadd.s32 s3, s5;
	[dreg:$0x0] =	wrdreg $0x0  }
0xae: {  	s5 =	sshll.u32 s28, $0x1;
	[dreg:$0x2] =	wrdreg s3  }
0xaf: {  	[dreg:$0x3] =	wrdreg s5  }
0xb0: {  	[dreg:$0x4] =	wrdreg $0xC0  }
0xb1: {  	_ =	task [dreg:s7], $0x5FFFF  }
0xb2: {  	[dreg:$0x1] =	wrdreg $0xFFFFFFFF  }
0xb3: {  	[dreg:$0x0] =	wrdreg $0x60  }
0xb4: {  	[dreg:$0x2] =	wrdreg s16  }
0xb5: {  	[dreg:$0x3] =	wrdreg s24  }
0xb6: {  	[dreg:$0x4] =	wrdreg $0x79000  }
0xb7: {  	[dreg:$0x5] =	wrdreg $0x9  }
0xb8: {  	_ =	task.clear_ibuf [dreg:s7], $0x6FFFF;
	_ =	strace $0x90000049  }
0xb9: {  	s29 =	simm.s32 $0x9;
	_ =	strace $0x8000004B  }
0xba: {  	_ =	swait.ge [sflag:s29], $0x1  }
0xbb: {  	[sflag:s29] =	ssyncadd.s32 $0xFFFFFFFF  }
0xbc: {  	_ =	strace $0x9000004B  }
0xbd: {  	_ =	sfence  }
0xbe: {  	s30 =	sld [smem:$0x0];
	_ =	sdelay $0x2  }
0xbf: {  	s31 =	sshll.u32 s1, $0xD;
	s1 =	sshrl.u32 s1, $0x2  }
0xc0: {  	s3 =	sand.u32 $0x4000, s31;
	s1 =	sadd.s32 s1, s30  }
0xc1: {  	s0 =	sor.u32 s3, s0;
	s1 =	sshll.u32 s1, $0x11  }
0xc2: {  	s0 =	sor.u32 s1, s0  }
0xc3: {  	s0 =	sadd.s32 $0x8F2B, s0  }
0xc4: {  	[sflag:s0] =	ssyncadd.remote.s32 $0x1  }
0xc5: {  	_ =	sfence.sel $0xFFFF  }
0xc6: {  	[dreg:$0x0] =	wrdreg $0xFFFFFFFF;
	(pc) =	sbr.abs _section_cstart, $3  }
0xc7: {  	[dreg:$0x1] =	wrdreg $0xFFFFFFFF  }
0xc8: {  	_ =	task.clear_ibuf [dreg:s7], $0x2FFFF;
	_ =	strace $0x9FFFFFFF  }
0xc9: {  	(tm) =	ssettm $0x7FFFFFFF  }
tec
execute0_lowered:
.L_overlay_start_1:
0x0: {  	(tag) =	ssettag $0x1  }
0x1: {  	s0 =	rddreg [dreg:$0x0]  }
0x2: {  	s1 =	rddreg [dreg:$0x1]  }
0x3: {  	s2 =	rddreg [dreg:$0x2];
	s4 =	srdreg.scid  }
0x4: {  	s10 =	stileid.u32;
	s3 =	simm.s32 $0x0;
	p1 =	por $0x0, $0x0  }
0x5: {  	s30 =	simm.s32 $0x5100;
	s6 =	sand.u32 $0x1, s4;
	s25 =	sshll.u32 s10, $0x1  }
0x6: {  	s31 =	simm.s32 $0x3;
	s14 =	smul.u32 $0x50000, s10;
	s7 =	sor.u32 s6, s25  }
0x7: {  	[smem:$0x7FF] =	sst s3;
	s4 =	sadd.s32 $0xC400, s1;
	s9 =	smul.u32 $0x2710, s7  }
0x8: {  	s5 =	sadd.s32 $0x16200, s1;
	s15 =	sshll.u32 s10, $0x3;
	s11 =	smul.u32 $0x27100, s7  }
0x9: {  	p0 =	seq.s32 s10, $0xF;
	s19 =	sor.u32 $0x3, s15;
	s7 =	smul.u32 $0x138800, s6  }
0xa: {  	_ =	strace $0x8000004A;
	s8 =	ssub.s32 $0x2, s6;
	s17 =	smul.u32 $0xA000, s19  }
0xb: {  	s20 =	sor.u32 $0x4, s15;
	s26 =	sshrl.u32 s8, $0x1;
	s19 =	smul.u32 $0x2800, s19  }
0xc: {  	s1 =	ssub.s32 s8, s26;
	s8 =	sshrl.u32 s14, $0x2;
	s14 =	smul.u32 $0xA000, s20  }
0xd: {  	s18 =	sor.u32 $0x2, s15;
	s21 =	sor.u32 $0x5, s15;
	s26 =	smul.u32 $0x4E200, s10  }
0xe: {  	s9 =	sshrl.u32 s9, $0x3;
	s13 =	sadd.s32 s0, s11;
	s1 =	smax.u32 s1, $0x1  }
0xf: {  	s24 =	sadd.s32 s8, s2;
	s23 =	sshrl.u32 s17, $0x2;
	s17 =	smul.u32 $0x27100, s6  }
0x10: {  	s6 =	smul.u32 $0x2710, s6;
	s12 =	sadd.s32 s4, s9;
	[dreg:$0x5] =	wrdreg s13  }
0x11: {  	s9 =	sor.u32 $0x1, s15;
	s0 =	sadd.s32 s26, s0;
	s26 =	smul.u32 $0x14000, s10  }
0x12: {  	[dreg:$0x6] =	wrdreg s1;
	s11 =	sshrl.u32 s14, $0x2;
	s16 =	smul.u32 $0xA000, s9  }
0x13: {  	s15 =	sor.u32 $0x6, s15;
	[dreg:$0x4] =	wrdreg s12;
	s12 =	smul.u32 $0xA000, s18  }
0x14: {  	s13 =	sadd.s32 s23, s2;
	s14 =	sadd.s32 s11, s2;
	s23 =	smul.u32 $0xA000, s15  }
0x15: {  	s0 =	sadd.s32 s17, s0;
	s17 =	sshllo.u32 s10, $0x3;
	s11 =	smul.u32 $0x2800, s9  }
0x16: {  	p5 =	slt.u32 s15, $0x7D;
	s18 =	smul.u32 $0x2800, s18;
	p2 =	sgt.u32 @!p0 s15, $0x7C  }
0x17: {  	s15 =	simm.s32 @p0 $0x7E;
	p2 =	por p2, p0;
	p4 =	sgt.u32 @!p0 s17, $0x7C  }
0x18: {  	p1 =	por @!p0 p5, p5;
	s1 =	sshrl.u32 s16, $0x2;
	s16 =	smul.u32 $0xA000, s21  }
0x19: {  	s22 =	sshrl.u32 s12, $0x2;
	s12 =	smul.u32 $0x4E20, s10;
	s8 =	sshrl.u32 s23, $0x2  }
0x1a: {  	s23 =	smul.u32 $0x2800, s20;
	p3 =	por p4, p0;
	p4 =	por !p4, p0  }
0x1b: {  	s25 =	sadd.s32 s1, s2;
	s1 =	sadd.s32 s22, s2;
	s8 =	sadd.s32 s8, s2  }
0x1c: {  	[dreg:$0x7] =	wrdreg s1;
	s22 =	sshrl.u32 s16, $0x2;
	s1 =	sadd.s32 s6, s12  }
0x1d: {  	[dreg:$0x8] =	wrdreg s8;
	s6 =	sadd.s32 s7, s26;
	s26 =	smul.u32 $0x2800, s21  }
0x1e: {  	s8 =	sadd.s32 s7, s11;
	s16 =	sadd.s32 s22, s2;
	s22 =	smul.u32 $0xA000, s17  }
0x1f: {  	s6 =	sshrl.u32 s6, $0x3;
	s8 =	sshrl.u32 s8, $0x3;
	s28 =	sadd.s32 $0xA0, s1  }
0x20: {  	s17 =	simm.s32 @p0 $0x7F;
	s6 =	sadd.s32 s5, s6;
	s8 =	sadd.s32 s5, s8  }
0x21: {  	s12 =	sshrl.u32 s22, $0x2;
	[dreg:$0xa] =	wrdreg s6;
	s22 =	sadd.s32 s7, s18  }
0x22: {  	[dreg:$0xb] =	wrdreg s8;
	s6 =	sadd.s32 s7, s19;
	s18 =	sadd.s32 s7, s26  }
0x23: {  	s26 =	sadd.s32 $0xA00, s0;
	s0 =	simm.s32 $0x100;
	s8 =	simm.s32 $0x1  }
0x24: {  	s9 =	sadd.s32 s12, s2;
	s6 =	sshrl.u32 s6, $0x3;
	s12 =	sadd.s32 s7, s23  }
0x25: {  	s20 =	sshrl.u32 s18, $0x3;
	s18 =	simm.s32 $0x4;
	[dreg:$0x9] =	wrdreg s9  }
0x26: {  	s9 =	sshrl.u32 s22, $0x3;
	s6 =	sadd.s32 s5, s6;
	s19 =	sshrl.u32 s12, $0x3  }
0x27: {  	s21 =	sadd.s32 s5, s20;
	s22 =	sadd.s32 $0x50, s1;
	s1 =	simm.s32 $0x80  }
0x28: {  	s20 =	simm.s32 $0x0;
	s11 =	sadd.s32 s5, s9;
	[dreg:$0xd] =	wrdreg s6  }
0x29: {  	s6 =	sadd.s32 s5, s19;
	[dreg:$0xf] =	wrdreg s21;
	s23 =	sshrl.u32 s22, $0x3  }
0x2a: {  	s9 =	simm.s32 $0x50;
	s19 =	simm.s32 $0x2;
	[dreg:$0xc] =	wrdreg s11  }
0x2b: {  	v0 =	vimm.f32 $0.0e+00;
	[dreg:$0xe] =	wrdreg s6;
	s29 =	sadd.s32 s23, s4;
	s6 =	simm.s32 $0x2900  }
.LBB2_1:
0x2c: {  	s21 =	simm.s32 $0x70;
	s22 =	simm.s32 $0x3C0  }
.LBB2_2:
0x2d: {  	p5 =	sne.s32 s22, $0x9FC0;
	[tilespmem:s21+$0x5100] =	vst v0  }
0x2e: {  	[tilespmem:s21+$0x5090] =	vst v0  }
0x2f: {  	[tilespmem:s21+$0x50A0] =	vst v0  }
.Ltmp0:
0x30: {  	[tilespmem:s21+$0x50B0] =	vst v0;
	(pc) =	sbr.rel @p5 .LBB2_2-.Ltmp0, $4  }
0x31: {  	[tilespmem:s21+$0x50C0] =	vst v0  }
0x32: {  	[tilespmem:s21+$0x50D0] =	vst v0  }
0x33: {  	[tilespmem:s21+$0x50E0] =	vst v0  }
0x34: {  	[tilespmem:s21+$0x50F0] =	vst v0;
	s21 =	sshra.s32 s22, $0x2;
	s22 =	sadd.s32 $0x200, s22  }
0x35: {  	[tilespmem:s21+$0x5100] =	vst v0  }
0x36: {  	[tilespmem:s21+$0x5090] =	vst v0  }
0x37: {  	[tilespmem:s21+$0x50A0] =	vst v0  }
0x38: {  	[tilespmem:s21+$0x50B0] =	vst v0  }
0x39: {  	[tilespmem:s21+$0x50C0] =	vst v0  }
0x3a: {  	[tilespmem:s21+$0x50D0] =	vst v0  }
0x3b: {  	[tilespmem:s21+$0x50E0] =	vst v0  }
0x3c: {  	[tilespmem:s21+$0x50F0] =	vst v0  }
0x3d: {  	[spmem:s24] =	stream.linear.scatter [tilespmem:s30], [sflag:$0x3], $0x2800, $0x38;
	[tilespmem:$0x1B180] =	vst v63  }
0x3e: {  	_ =	swait.ge [sflag:s31], $0x2800  }
0x3f: {  	[sflag:s31] =	ssyncset.done $0x0  }
0x40: {  	[sflag:s31] =	ssyncadd.s32 $0xFFFFD800  }
0x41: {  	[spmem:s25] =	stream.linear.scatter [tilespmem:s30], [sflag:$0x3], $0x2800, $0x38;
	[tilespmem:$0x1B180] =	vst v63  }
0x42: {  	_ =	swait.ge [sflag:s31], $0x2800  }
0x43: {  	[sflag:s31] =	ssyncset.done $0x0  }
0x44: {  	s10 =	rddreg [dreg:$0x7];
	[sflag:s31] =	ssyncadd.s32 $0xFFFFD800  }
0x45: {  	[spmem:s10] =	stream.linear.scatter [tilespmem:s30], [sflag:$0x3], $0x2800, $0x38;
	[tilespmem:$0x1B180] =	vst v63  }
0x46: {  	_ =	swait.ge [sflag:s31], $0x2800  }
0x47: {  	[sflag:s31] =	ssyncset.done $0x0  }
0x48: {  	[sflag:s31] =	ssyncadd.s32 $0xFFFFD800  }
0x49: {  	[spmem:s13] =	stream.linear.scatter [tilespmem:s30], [sflag:$0x3], $0x2800, $0x38;
	[tilespmem:$0x1B180] =	vst v63  }
0x4a: {  	_ =	swait.ge [sflag:s31], $0x2800  }
0x4b: {  	[sflag:s31] =	ssyncset.done $0x0  }
0x4c: {  	[sflag:s31] =	ssyncadd.s32 $0xFFFFD800  }
0x4d: {  	[spmem:s14] =	stream.linear.scatter [tilespmem:s30], [sflag:$0x3], $0x2800, $0x38;
	[tilespmem:$0x1B180] =	vst v63  }
0x4e: {  	_ =	swait.ge [sflag:s31], $0x2800  }
0x4f: {  	[sflag:s31] =	ssyncset.done $0x0  }
0x50: {  	s21 =	simm.s32 @!p0 $0x5100;
	[sflag:s31] =	ssyncadd.s32 $0xFFFFD800  }
0x51: {  	[spmem:s16] =	stream.linear.scatter @!p0 [tilespmem:s21], [sflag:$0x3], $0x2800, $0x38;
	[tilespmem:$0x1B180] =	vst v63  }
0x52: {  	s21 =	simm.s32 @!p0 $0x3  }
0x53: {  	_ =	swait.ge @!p0 [sflag:s21], $0x2800  }
0x54: {  	[sflag:s21] =	ssyncset.done @!p0 $0x0  }
0x55: {  	s10 =	rddreg [dreg:$0x8];
	[sflag:s21] =	ssyncadd.s32 @!p0 $0xFFFFD800;
	s21 =	simm.s32 @!p2 $0x5100  }
0x56: {  	[spmem:s10] =	stream.linear.scatter @!p2 [tilespmem:s21], [sflag:$0x3], $0x2800, $0x38;
	[tilespmem:$0x1B180] =	vst v63  }
0x57: {  	s21 =	simm.s32 @!p2 $0x3  }
0x58: {  	_ =	swait.ge @!p2 [sflag:s21], $0x2800  }
0x59: {  	[sflag:s21] =	ssyncset.done @!p2 $0x0  }
0x5a: {  	s10 =	rddreg [dreg:$0x9];
	[sflag:s21] =	ssyncadd.s32 @!p2 $0xFFFFD800;
	s21 =	simm.s32 @!p3 $0x5100  }
0x5b: {  	[spmem:s10] =	stream.linear.scatter @!p3 [tilespmem:s21], [sflag:$0x3], $0x2800, $0x38;
	[tilespmem:$0x1B180] =	vst v63  }
0x5c: {  	s21 =	simm.s32 @!p3 $0x3  }
0x5d: {  	_ =	swait.ge @!p3 [sflag:s21], $0x2800  }
0x5e: {  	[sflag:s21] =	ssyncset.done @!p3 $0x0  }
0x5f: {  	[sflag:s21] =	ssyncadd.s32 @!p3 $0xFFFFD800  }
0x60: {  	s11 =	smov.u32 s24;
	[bflag:$0x0] =	sbarrier.arrive $0xFFFF  }
0x61: {  	s12 =	smov.u32 s25;
	s24 =	simm.s32 $0x0;
	s25 =	rddreg [dreg:$0x4]  }
0x62: {  	[tilespmem:s24], [sflag:$0x1] =	stream.linear.gather [hbm4b:s25+s24], $0x50, $0x38;
	[tilespmem:$0x1B180] =	vst v63  }
0x63: {  	s22 =	rddreg [dreg:$0x5]  }
0x64: {  	[tilespmem:s0], [sflag:$0x1] =	stream.linear.gather [hbm4b:s22+s24], $0x2800, $0x38;
	[tilespmem:$0x1B180] =	vst v63  }
0x65: {  	s23 =	sadd.s32 $0x0, s29  }
0x66: {  	[tilespmem:s1], [sflag:$0x2] =	stream.linear.gather [hbm4b:s23+s3], $0x50, $0x38;
	[tilespmem:$0x1B180] =	vst v63  }
0x67: {  	s24 =	sadd.s32 $0xFFFFFB00, s26  }
0x68: {  	[tilespmem:s6], [sflag:$0x2] =	stream.linear.gather [hbm4b:s24+s3], $0x2800, $0x38;
	[tilespmem:$0x1B180] =	vst v63  }
0x69: {  	_ =	swait.ge [sflag:s8], $0x50  }
0x6a: {  	[sflag:s8] =	ssyncset.done $0x0  }
0x6b: {  	[sflag:s8] =	ssyncadd.s32 $0xFFFFFFB0  }
0x6c: {  	_ =	swait.ge [sflag:s8], $0x2800  }
0x6d: {  	[sflag:s8] =	ssyncset.done $0x0  }
0x6e: {  	[sflag:s8] =	ssyncadd.s32 $0xFFFFD800  }
0x6f: {  	[spmem:s2] =	stream.indirect.scatter.add.f32 [tilespmem:s0], [sflag:$0x4], $0x80, s3, s9, $0xb8;
	[tilespmem:$0x1B180] =	vst v63  }
0x70: {  	_ =	swait.ge [sflag:s18], $0x2800  }
0x71: {  	s25 =	sshrl.u32 s28, $0x3;
	[sflag:s18] =	ssyncset.done $0x0  }
0x72: {  	s21 =	sadd.s32 s4, s25;
	[sflag:s18] =	ssyncadd.s32 $0xFFFFD800  }
0x73: {  	[tilespmem:s3], [sflag:$0x1] =	stream.linear.gather [hbm4b:s21+s3], $0x50, $0x38;
	[tilespmem:$0x1B180] =	vst v63  }
0x74: {  	_ = 	snop  }
0x75: {  	[tilespmem:s0], [sflag:$0x1] =	stream.linear.gather [hbm4b:s26+s3], $0x2800, $0x38;
	[tilespmem:$0x1B180] =	vst v63  }
0x76: {  	_ =	swait.ge [sflag:s19], $0x50  }
0x77: {  	[sflag:s19] =	ssyncset.done $0x0  }
0x78: {  	[sflag:s19] =	ssyncadd.s32 $0xFFFFFFB0  }
0x79: {  	p5 =	por @!p0 $0x0, $0x0;
	p6 =	por @!p3 $0x1, $0x1;
	_ =	swait.ge [sflag:s19], $0x2800  }
0x7a: {  	p6 =	por @!p4 p5, p5;
	p5 =	por $0x0, $0x0;
	[sflag:s19] =	ssyncset.done $0x0  }
0x7b: {  	p5 =	por @!p0 p6, p6;
	[sflag:s19] =	ssyncadd.s32 $0xFFFFD800  }
0x7c: {  	[spmem:s2] =	stream.indirect.scatter.add.f32 [tilespmem:s6], [sflag:$0x3], $0x80, s1, s9, $0xb8;
	[tilespmem:$0x1B180] =	vst v63  }
0x7d: {  	s22 =	sadd.s32 $0xA0, s28;
	s23 =	simm.s32 $0x14;
	_ =	swait.ge [sflag:s31], $0x2800  }
0x7e: {  	s24 =	simm.s32 $0x28;
	s21 =	sadd.s32 $0xA00, s26;
	[sflag:s31] =	ssyncset.done $0x0  }
.LBB2_4:
0x7f: {  	s25 =	sadd.s32 s23, s29  }
0x80: {  	[sflag:s31] =	ssyncadd.s32 $0xFFFFD800;
	s23 =	smov.u32 s24;
	s10 =	sadd.s32 $0x14, s24  }
0x81: {  	[tilespmem:s1], [sflag:$0x2] =	stream.linear.gather [hbm4b:s25+s3], $0x50, $0x38;
	[tilespmem:$0x1B180] =	vst v63  }
0x82: {  	p6 =	sne.s32 s24, $0x4C4;
	s24 =	sadd.s32 $0xFFFFFB00, s21  }
0x83: {  	[tilespmem:s6], [sflag:$0x2] =	stream.linear.gather [hbm4b:s24+s3], $0x2800, $0x38;
	[tilespmem:$0x1B180] =	vst v63  }
0x84: {  	_ =	swait.ge [sflag:s8], $0x50  }
0x85: {  	[sflag:s8] =	ssyncset.done $0x0  }
0x86: {  	[sflag:s8] =	ssyncadd.s32 $0xFFFFFFB0  }
0x87: {  	_ =	swait.ge [sflag:s8], $0x2800  }
0x88: {  	[sflag:s8] =	ssyncset.done $0x0  }
0x89: {  	[sflag:s8] =	ssyncadd.s32 $0xFFFFD800  }
0x8a: {  	[spmem:s2] =	stream.indirect.scatter.add.f32 [tilespmem:s0], [sflag:$0x4], $0x80, s3, s9, $0xb8;
	[tilespmem:$0x1B180] =	vst v63  }
0x8b: {  	_ =	swait.ge [sflag:s18], $0x2800  }
0x8c: {  	s24 =	sshrl.u32 s22, $0x3;
	[sflag:s18] =	ssyncset.done $0x0  }
0x8d: {  	s24 =	sadd.s32 s4, s24;
	[sflag:s18] =	ssyncadd.s32 $0xFFFFD800  }
0x8e: {  	[tilespmem:s3], [sflag:$0x1] =	stream.linear.gather [hbm4b:s24+s3], $0x50, $0x38;
	[tilespmem:$0x1B180] =	vst v63  }
0x8f: {  	_ = 	snop  }
0x90: {  	[tilespmem:s0], [sflag:$0x1] =	stream.linear.gather [hbm4b:s21+s3], $0x2800, $0x38;
	[tilespmem:$0x1B180] =	vst v63  }
0x91: {  	_ =	swait.ge [sflag:s19], $0x50  }
0x92: {  	[sflag:s19] =	ssyncset.done $0x0  }
0x93: {  	[sflag:s19] =	ssyncadd.s32 $0xFFFFFFB0  }
0x94: {  	_ =	swait.ge [sflag:s19], $0x2800  }
.Ltmp1:
0x95: {  	[sflag:s19] =	ssyncset.done $0x0;
	(pc) =	sbr.rel @p6 .LBB2_4-.Ltmp1, $4  }
0x96: {  	[sflag:s19] =	ssyncadd.s32 $0xFFFFD800  }
0x97: {  	[spmem:s2] =	stream.indirect.scatter.add.f32 [tilespmem:s6], [sflag:$0x3], $0x80, s1, s9, $0xb8;
	[tilespmem:$0x1B180] =	vst v63  }
0x98: {  	s22 =	sadd.s32 $0xA0, s22;
	_ =	swait.ge [sflag:s31], $0x2800  }
0x99: {  	s24 =	smov.u32 s10;
	s21 =	sadd.s32 $0xA00, s21;
	[sflag:s31] =	ssyncset.done $0x0  }
0x9a: {  	s10 =	sadd.s32 s23, s29;
	[sflag:s31] =	ssyncadd.s32 $0xFFFFD800  }
0x9b: {  	[tilespmem:s1], [sflag:$0x2] =	stream.linear.gather [hbm4b:s10+s3], $0x50, $0x38;
	[tilespmem:$0x1B180] =	vst v63  }
0x9c: {  	s24 =	sadd.s32 $0xFFFFFB00, s21  }
0x9d: {  	[tilespmem:s6], [sflag:$0x2] =	stream.linear.gather [hbm4b:s24+s3], $0x2800, $0x38;
	[tilespmem:$0x1B180] =	vst v63  }
0x9e: {  	_ =	swait.ge [sflag:s8], $0x50  }
0x9f: {  	[sflag:s8] =	ssyncset.done $0x0  }
0xa0: {  	[sflag:s8] =	ssyncadd.s32 $0xFFFFFFB0  }
0xa1: {  	_ =	swait.ge [sflag:s8], $0x2800  }
0xa2: {  	[sflag:s8] =	ssyncset.done $0x0  }
0xa3: {  	[sflag:s8] =	ssyncadd.s32 $0xFFFFD800  }
0xa4: {  	[spmem:s2] =	stream.indirect.scatter.add.f32 [tilespmem:s0], [sflag:$0x4], $0x80, s3, s9, $0xb8;
	[tilespmem:$0x1B180] =	vst v63  }
0xa5: {  	_ =	swait.ge [sflag:s18], $0x2800  }
0xa6: {  	s25 =	sshrl.u32 s22, $0x3;
	[sflag:s18] =	ssyncset.done $0x0  }
0xa7: {  	s10 =	sadd.s32 s4, s25;
	[sflag:s18] =	ssyncadd.s32 $0xFFFFD800  }
0xa8: {  	[tilespmem:s3], [sflag:$0x1] =	stream.linear.gather [hbm4b:s10+s3], $0x50, $0x38;
	[tilespmem:$0x1B180] =	vst v63  }
0xa9: {  	_ = 	snop  }
0xaa: {  	[tilespmem:s0], [sflag:$0x1] =	stream.linear.gather [hbm4b:s21+s3], $0x2800, $0x38;
	[tilespmem:$0x1B180] =	vst v63  }
0xab: {  	_ =	swait.ge [sflag:s19], $0x50  }
0xac: {  	[sflag:s19] =	ssyncset.done $0x0  }
0xad: {  	[sflag:s19] =	ssyncadd.s32 $0xFFFFFFB0  }
0xae: {  	_ =	swait.ge [sflag:s19], $0x2800  }
0xaf: {  	[sflag:s19] =	ssyncset.done $0x0  }
0xb0: {  	[sflag:s19] =	ssyncadd.s32 $0xFFFFD800  }
0xb1: {  	[spmem:s2] =	stream.indirect.scatter.add.f32 [tilespmem:s6], [sflag:$0x3], $0x80, s1, s9, $0xb8;
	[tilespmem:$0x1B180] =	vst v63  }
0xb2: {  	_ =	swait.ge [sflag:s31], $0x2800  }
0xb3: {  	[sflag:s31] =	ssyncset.done $0x0  }
0xb4: {  	[sflag:s31] =	ssyncadd.s32 $0xFFFFD800  }
0xb5: {  	_ =	swait.ge [sflag:s8], $0x50  }
0xb6: {  	[sflag:s8] =	ssyncset.done $0x0  }
0xb7: {  	[sflag:s8] =	ssyncadd.s32 $0xFFFFFFB0  }
0xb8: {  	_ =	swait.ge [sflag:s8], $0x2800  }
0xb9: {  	[sflag:s8] =	ssyncset.done $0x0  }
0xba: {  	[sflag:s8] =	ssyncadd.s32 $0xFFFFD800  }
0xbb: {  	[spmem:s2] =	stream.indirect.scatter.add.f32 [tilespmem:s0], [sflag:$0x4], $0x80, s3, s9, $0xb8;
	[tilespmem:$0x1B180] =	vst v63  }
0xbc: {  	_ =	swait.ge [sflag:s18], $0x2800  }
0xbd: {  	[sflag:s18] =	ssyncset.done $0x0  }
0xbe: {  	s22 =	stileid.u32;
	[sflag:s18] =	ssyncadd.s32 $0xFFFFD800  }
0xbf: {  	s10 =	sshll.u32 s22, $0x6;
	[bflag:$0x0] =	sbarrier.arrive $0xFFFF  }
0xc0: {  	s23 =	sshrl.u32 s11, $0x3;
	s10 =	sor.u32 $0x1C03, s10;
	s25 =	rddreg [dreg:$0xa]  }
0xc1: {  	[hbm:s25], [sflag:s10] =	dma.local [spmem:s23], $0x500  }
0xc2: {  	_ =	swait.ge [sflag:s31], $0x500  }
0xc3: {  	s25 =	smov.u32 s12;
	[sflag:s31] =	ssyncset.done $0x0  }
0xc4: {  	s12 =	sshrl.u32 s12, $0x3;
	s22 =	rddreg [dreg:$0xb];
	[sflag:s31] =	ssyncadd.s32 $0xFFFFFB00  }
0xc5: {  	[hbm:s22], [sflag:s10] =	dma.local [spmem:s12], $0x500  }
0xc6: {  	_ =	swait.ge [sflag:s31], $0x500  }
0xc7: {  	s24 =	smov.u32 s11;
	[sflag:s31] =	ssyncset.done $0x0;
	s23 =	rddreg [dreg:$0x7]  }
0xc8: {  	s12 =	rddreg [dreg:$0xc];
	[sflag:s31] =	ssyncadd.s32 $0xFFFFFB00;
	s11 =	sshrl.u32 s23, $0x3  }
0xc9: {  	[hbm:s12], [sflag:s10] =	dma.local [spmem:s11], $0x500  }
0xca: {  	_ =	swait.ge [sflag:s31], $0x500  }
0xcb: {  	[sflag:s31] =	ssyncset.done $0x0  }
0xcc: {  	s22 =	sshrl.u32 s13, $0x3;
	s23 =	rddreg [dreg:$0xd];
	[sflag:s31] =	ssyncadd.s32 $0xFFFFFB00  }
0xcd: {  	[hbm:s23], [sflag:s10] =	dma.local [spmem:s22], $0x500  }
0xce: {  	_ =	swait.ge [sflag:s31], $0x500  }
0xcf: {  	[sflag:s31] =	ssyncset.done $0x0  }
0xd0: {  	s12 =	sshrl.u32 s14, $0x3;
	s22 =	rddreg [dreg:$0xe];
	[sflag:s31] =	ssyncadd.s32 $0xFFFFFB00  }
0xd1: {  	[hbm:s22], [sflag:s10] =	dma.local [spmem:s12], $0x500  }
0xd2: {  	_ =	swait.ge [sflag:s31], $0x500  }
0xd3: {  	s21 =	sshrl.u32 @!p0 s16, $0x3;
	[sflag:s31] =	ssyncset.done $0x0  }
0xd4: {  	s22 =	smul.u32 @p1 $0xA000, s15;
	s11 =	rddreg [dreg:$0xf];
	[sflag:s31] =	ssyncadd.s32 $0xFFFFFB00  }
0xd5: {  	[hbm:s11], [sflag:s10] =	dma.local @!p0 [spmem:s21], $0x500  }
0xd6: {  	s21 =	smul.u32 @p1 $0x2800, s15  }
0xd7: {  	s23 =	simm.s32 @!p0 $0x3  }
0xd8: {  	s22 =	sshrl.u32 @p1 s22, $0x2;
	_ =	swait.ge @!p0 [sflag:s23], $0x500;
	s21 =	sadd.s32 @p1 s7, s21  }
0xd9: {  	s22 =	sadd.s32 @p1 s22, s2;
	[sflag:s23] =	ssyncset.done @!p0 $0x0;
	s21 =	sshrl.u32 @p1 s21, $0x3  }
0xda: {  	s22 =	sshrl.u32 @p1 s22, $0x3;
	[sflag:s23] =	ssyncadd.s32 @!p0 $0xFFFFFB00;
	s21 =	sadd.s32 @p1 s5, s21  }
0xdb: {  	[hbm:s21], [sflag:s10] =	dma.local @p1 [spmem:s22], $0x500  }
0xdc: {  	s21 =	smul.u32 @p5 $0x2800, s17  }
0xdd: {  	s22 =	smul.u32 @p5 $0xA000, s17  }
0xde: {  	s23 =	simm.s32 @p1 $0x3  }
0xdf: {  	_ =	swait.ge @p1 [sflag:s23], $0x500;
	s21 =	sadd.s32 @p5 s7, s21;
	s22 =	sshrl.u32 @p5 s22, $0x2  }
0xe0: {  	[sflag:s23] =	ssyncset.done @p1 $0x0;
	s21 =	sshrl.u32 @p5 s21, $0x3;
	s22 =	sadd.s32 @p5 s22, s2  }
0xe1: {  	[sflag:s23] =	ssyncadd.s32 @p1 $0xFFFFFB00;
	s21 =	sadd.s32 @p5 s5, s21;
	s22 =	sshrl.u32 @p5 s22, $0x3  }
0xe2: {  	[hbm:s21], [sflag:s10] =	dma.local @p5 [spmem:s22], $0x500  }
0xe3: {  	s10 =	simm.s32 @p5 $0x3  }
0xe4: {  	_ =	swait.ge @p5 [sflag:s10], $0x500  }
0xe5: {  	s20 =	sadd.s32 $0x1, s20;
	s23 =	rddreg [dreg:$0x6]  }
0xe6: {  	p6 =	sne.s32 s20, s23  }
.Ltmp2:
0xe7: {  	_ = 	snop;
	(pc) =	sbr.rel @p6 .LBB2_1-.Ltmp2, $3  }
0xe8: {  	_ =	sdelay $0x1  }
0xe9: {  	[sflag:s10] =	ssyncset.done @p5 $0x0  }
0xea: {  	[sflag:s10] =	ssyncadd.s32 @p5 $0xFFFFFB00  }
0xeb: {  	_ =	sfence.sel $0x180000  }
0xec: {  	[bflag:$0x0] =	sbarrier.arrive $0xFFFF  }
0xed: {  	_ =	strace $0x9000004A  }
0xee: {  	s0 =	stileid.u32;
	[bflag:$0x2] =	sbarrier.arrive $0xFFFF  }
0xef: {  	p0 =	sne.s32 s0, $0x0;
	s0 =	rddreg [dreg:$0x3]  }
0xf0: {  	s0 =	sadd.s32 @!p0 $0x100000, s0  }
0xf1: {  	[sflag:s0] =	ssyncadd.tile.s32 @!p0 $0x1;
	_ =	shalt  }
.Lfunc_end2:
_tile_overlayer_lowered:
.L_overlay_start_2:
0xf2: {  	(tag) =	ssettag $0x2  }
0xf3: {  	s0 =	rddreg [dreg:$0x0];
	s2 =	stileid.u32  }
0xf4: {  	s1 =	rddreg [dreg:$0x1];
	p0 =	sne.s32 s2, $0x0  }
0xf5: {  	s3 =	rddreg [dreg:$0x2];
	[bflag:$0x3] =	sbarrier.arrive $0xFFFF;
	s2 =	simm.s32 @!p0 $0x1C03  }
0xf6: {  	[timem:s3], [sflag:s2] =	dma.local @!p0 [hbm:s0], s1  }
0xf7: {  	s0 =	simm.s32 @!p0 $0x3  }
0xf8: {  	_ =	swait.ge @!p0 [sflag:s0], s1  }
0xf9: {  	s1 =	ssub.s32 @!p0 $0x0, s1;
	[sflag:s0] =	ssyncset.done @!p0 $0x0  }
0xfa: {  	[sflag:s0] =	ssyncadd.s32 @!p0 s1  }
0xfb: {  	[bflag:$0x3] =	sbarrier.arrive $0xFFFF  }
0xfc: {  	_ =	shalt  }

// kernel: kernel.7.cloned.1.call-start
scs
__scs_entry_jumppad:
0x0: {  	(pc) =	sbr.rel $0x88, $3  }
0x1: {  	(tag) =	ssettag $0x0;
	lr =	simm.s32 $0x1  }
0x2: {  	[smem:$0x3F95] =	sst lr;
	_ =	strace $0xD0000000  }
0x3: {  	_ = 	snop  }
0x4: {  	_ = 	snop  }
0x5: {  	_ = 	snop  }
0x6: {  	_ = 	snop  }
0x7: {  	_ = 	snop  }
__scs_overlays_trampoline_lowered:
0x8: {  	[smem:$0x3FA4] =	sst s0  }
0x9: {  	[smem:$0x3FA5] =	sst s1  }
0xa: {  	[smem:$0x3FA6] =	sst s2  }
0xb: {  	[smem:$0x3FA7] =	sst s3  }
0xc: {  	[smem:$0x3FA8] =	sst s4  }
0xd: {  	[smem:$0x3FA9] =	sst s5  }
0xe: {  	[smem:$0x3FAA] =	sst s6  }
0xf: {  	[smem:$0x3FAB] =	sst s7  }
0x10: {  	[smem:$0x3FAC] =	sst s8  }
0x11: {  	[smem:$0x3FAD] =	sst s9;
	s0 =	simm.s32 @!p0 $0x0  }
0x12: {  	s1 =	sld [smem:$0x3F93];
	s0 =	simm.s32 @p0 $0x1  }
0x13: {  	[smem:$0x3FAE] =	sst s0;
	s0 =	simm.s32 @!p1 $0x0  }
0x14: {  	s2 =	sld [smem:$0x3F92];
	s0 =	simm.s32 @p1 $0x1  }
0x15: {  	[smem:$0x3FAF] =	sst s0;
	s0 =	simm.s32 @!p2 $0x0  }
0x16: {  	s3 =	sld [smem:$0x3FDB];
	s0 =	simm.s32 @p2 $0x1  }
0x17: {  	s4 =	simm.s32 $0x1BF5;
	[smem:$0x3FB1] =	sst s0  }
0x18: {  	s0 =	sld [smem:$0x3F94];
	_ =	swait.ge [sflag:s4], $0x0  }
0x19: {  	s7 =	sld [smem:$0x3F95]  }
0x1a: {  	s8 =	sadd.s32 $0xFFFFE003, lr  }
0x1b: {  	s9 =	sadd.s32 $0xFFFFFEF7, lr;
	s5 =	simm.s32 $0xFFFFFFFF;
	p2 =	slt.u32 s8, $0xFFFFF086  }
0x1c: {  	p1 =	slt.u32 s9, $0xF7A;
	s5 =	simm.s32 @!p2 $0x0  }
0x1d: {  	s5 =	simm.s32 @p1 $0x1;
	p0 =	seq.s32 s7, s2  }
0x1e: {  	s7 =	smul.u32 @!p0 $0xF7A, s2;
	p2 =	seq.s32 @!p0 s5, $0x0  }
0x1f: {  	s9 =	smul.u32 $0xF7A, s1;
	s8 =	simm.s32 @!p0 $0x1BF5;
	p2 =	por !p2, p0  }
0x20: {  	[sflag:s8] =	ssyncset.s32 @!p0 $0xFFFFF086;
	s6 =	sadd.s32 @!p0 s3, s7;
	s7 =	simm.s32 @!p0 $0x108  }
0x21: {  	s3 =	sadd.s32 s3, s9;
	s6 =	sadd.s32 @!p0 $0x88, s6;
	s7 =	simm.s32 @p2 $0x1082  }
0x22: {  	[simem:s7], [sflag:s8] =	dma.local @!p0 [hbm:s6], $0xF7A  }
0x23: {  	s9 =	sor.u32 $0xD0000000, s2;
	s6 =	simm.s32 $0x108;
	_ =	swait.ge @!p0 [sflag:s8], $0x0  }
0x24: {  	s3 =	sadd.s32 $0x88, s3;
	s6 =	simm.s32 @!p1 $0x1082;
	[sflag:s4] =	ssyncset.s32 $0xFFFFF086  }
0x25: {  	[simem:s6], [sflag:s4] =	dma.local [hbm:s3], $0xF7A  }
0x26: {  	[smem:$0x3F95] =	sst s1;
	(tag) =	ssettag s2;
	_ =	strace s9  }
0x27: {  	s1 =	sld [smem:$0x3FA5]  }
0x28: {  	s2 =	sld [smem:$0x3FA6]  }
0x29: {  	s4 =	sld [smem:$0x3FA8]  }
0x2a: {  	p0 =	seq.s32 s5, $0x0;
	s5 =	sld [smem:$0x3FA9]  }
0x2b: {  	s6 =	sld [smem:$0x3FAA]  }
0x2c: {  	s7 =	sld [smem:$0x3FAB]  }
0x2d: {  	s3 =	simm.s32 $0x108;
	s8 =	sld [smem:$0x3FAC]  }
0x2e: {  	s3 =	simm.s32 @!p0 $0x1082;
	s9 =	sld [smem:$0x3FAD]  }
0x2f: {  	lr =	sadd.s32 s0, s3;
	s0 =	sld [smem:$0x3FA4]  }
0x30: {  	s3 =	sld [smem:$0x3FA7]  }
0x31: {  	[smem:$0x3FB0] =	sst s10  }
0x32: {  	s10 =	sld [smem:$0x3FAE];
	_ =	sdelay $0x3  }
0x33: {  	p0 =	seq.s32 s10, $0x1;
	s10 =	sld [smem:$0x3FB0];
	_ =	sdelay $0x3  }
0x34: {  	[smem:$0x3FB0] =	sst s10  }
0x35: {  	s10 =	sld [smem:$0x3FAF];
	_ =	sdelay $0x3  }
0x36: {  	p1 =	seq.s32 s10, $0x1;
	s10 =	sld [smem:$0x3FB0];
	_ =	sdelay $0x3  }
0x37: {  	[smem:$0x3FB0] =	sst s10  }
0x38: {  	s10 =	sld [smem:$0x3FB1]  }
0x39: {  	_ = 	snop;
	(pc) =	sbr.ind lr, $3  }
0x3a: {  	_ = 	snop  }
0x3b: {  	_ = 	snop  }
0x3c: {  	p2 =	seq.s32 s10, $0x1;
	s10 =	sld [smem:$0x3FB0]  }
0x3d: {  	_ =	shalt  }
0x3e: {  	_ =	shalt  }
0x3f: {  	_ =	shalt  }
0x40: {  	_ =	shalt  }
0x41: {  	_ =	shalt  }
0x42: {  	_ =	shalt  }
0x43: {  	_ =	shalt  }
0x44: {  	_ =	shalt  }
0x45: {  	_ =	shalt  }
0x46: {  	_ =	shalt  }
0x47: {  	_ =	shalt  }
0x48: {  	_ =	shalt  }
0x49: {  	_ =	shalt  }
0x4a: {  	_ =	shalt  }
0x4b: {  	_ =	shalt  }
0x4c: {  	_ =	shalt  }
0x4d: {  	_ =	shalt  }
0x4e: {  	_ =	shalt  }
0x4f: {  	_ =	shalt  }
0x50: {  	_ =	shalt  }
0x51: {  	_ =	shalt  }
0x52: {  	_ =	shalt  }
0x53: {  	_ =	shalt  }
0x54: {  	_ =	shalt  }
0x55: {  	_ =	shalt  }
0x56: {  	_ =	shalt  }
0x57: {  	_ =	shalt  }
0x58: {  	_ =	shalt  }
0x59: {  	_ =	shalt  }
0x5a: {  	_ =	shalt  }
0x5b: {  	_ =	shalt  }
0x5c: {  	_ =	shalt  }
0x5d: {  	_ =	shalt  }
0x5e: {  	_ =	shalt  }
0x5f: {  	_ =	shalt  }
0x60: {  	_ =	shalt  }
0x61: {  	_ =	shalt  }
0x62: {  	_ =	shalt  }
0x63: {  	_ =	shalt  }
0x64: {  	_ =	shalt  }
0x65: {  	_ =	shalt  }
0x66: {  	_ =	shalt  }
0x67: {  	_ =	shalt  }
0x68: {  	_ =	shalt  }
0x69: {  	_ =	shalt  }
0x6a: {  	_ =	shalt  }
0x6b: {  	_ =	shalt  }
0x6c: {  	_ =	shalt  }
0x6d: {  	_ =	shalt  }
0x6e: {  	_ =	shalt  }
0x6f: {  	_ =	shalt  }
0x70: {  	_ =	shalt  }
0x71: {  	_ =	shalt  }
0x72: {  	_ =	shalt  }
0x73: {  	_ =	shalt  }
0x74: {  	_ =	shalt  }
0x75: {  	_ =	shalt  }
0x76: {  	_ =	shalt  }
0x77: {  	_ =	shalt  }
0x78: {  	_ =	shalt  }
0x79: {  	_ =	shalt  }
0x7a: {  	_ =	shalt  }
0x7b: {  	_ =	shalt  }
0x7c: {  	_ =	shalt  }
0x7d: {  	_ =	shalt  }
0x7e: {  	_ =	shalt  }
0x7f: {  	_ =	shalt  }
0x80: {  	_ =	shalt  }
0x81: {  	_ =	shalt  }
0x82: {  	_ =	shalt  }
0x83: {  	_ =	shalt  }
0x84: {  	_ =	shalt  }
0x85: {  	_ =	shalt  }
0x86: {  	_ =	shalt  }
0x87: {  	_ =	shalt  }
.Lfunc_end0:
.L_simem_size_0:
called_computation_lowered:
.L_overlay_start_0:
0x88: {  	s2 =	sld [smem:$0x3FD9]  }
0x89: {  	s3 =	sld [smem:$0x3FFE];
	_ =	sdelay $0x1  }
0x8a: {  	s1 =	srdreg.scid  }
0x8b: {  	s0 =	sand.u32 $0x1, s1  }
0x8c: {  	s14 =	sshll.u32 s0, $0xA;
	s2 =	sadd.s32 s3, s2  }
0x8d: {  	s2 =	sadd.s32 s2, s14  }
0x8e: {  	[smem:$0x3FBC] =	sst s2  }
0x8f: {  	_ = 	snop  }
0x90: {  	s2 =	sld [smem:$0x3FD0];
	_ =	sdelay $0x2  }
0x91: {  	s15 =	simm.s32 $0xA;
	s4 =	simm.s32 $0x10  }
0x92: {  	[smem:s4], [sflag:s15] =	dma.local [hbm:s2], $0x1  }
0x93: {  	_ =	swait.eq [sflag:s15], $0x1  }
0x94: {  	[sflag:s15] =	ssyncset.done $0x0  }
0x95: {  	s16 =	sld [smem:$0x10];
	[sflag:s15] =	ssyncadd.s32 $0xFFFFFFFF  }
0x96: {  	s17 =	sld [smem:$0x11];
	(tm) =	ssettm $0x1  }
0x97: {  	s18 =	sld [smem:$0x3FFB];
	_ =	sdelay $0x3  }
0x98: {  	_ =	strace s18  }
0x99: {  	s4 =	sld [smem:$0x3FFC];
	_ =	sdelay $0x3  }
0x9a: {  	_ =	strace s4  }
0x9b: {  	s4 =	sld [smem:$0x3FFD];
	_ =	sdelay $0x3  }
0x9c: {  	_ =	strace s4  }
0x9d: {  	_ =	strace $0x8FFFFFFF  }
0x9e: {  	s19 =	sld [smem:$0x3FDB];
	_ =	sdelay $0x1  }
0x9f: {  	s5 =	simm.s32 $_scs_section_size  }
0xa0: {  	s6 =	simm.s32 $_size__tile_overlayer_lowered;
	s7 =	simm.s32 $_tile_overlayer_lowered  }
0xa1: {  	s22 =	simm.s32 $0x1BFF;
	s21 =	sshll.u32 s7, $0x1;
	s4 =	sadd.s32 s5, s19  }
0xa2: {  	s8 =	simm.s32 $0x0;
	s20 =	sshll.u32 s6, $0x1;
	s6 =	sadd.s32 s21, s4  }
0xa3: {  	[timem:s8], [sflag:s22] =	dma.local [hbm:s6], s20  }
0xa4: {  	_ =	swait.ge [sflag:s22], s20  }
0xa5: {  	s5 =	ssub.s32 $0x0, s20;
	[sflag:s22] =	ssyncset.done $0x0  }
0xa6: {  	[sflag:s22] =	ssyncadd.s32 s5;
	_ =	sdelay $0x1  }
0xa7: {  	s23 =	simm.s32 $0x1B8B  }
0xa8: {  	_ =	swait.ge [sflag:s23], $0x1  }
0xa9: {  	[sflag:s23] =	ssyncset.done $0x0  }
0xaa: {  	s25 =	simm.s32 $0x1B8E;
	s24 =	sld [smem:$0x3FFE];
	[sflag:s23] =	ssyncadd.s32 $0xFFFFFFFF  }
0xab: {  	s26 =	simm.s32 $execute0_lowered;
	[smem:$0x3FD2] =	sst s25  }
0xac: {  	s6 =	sshll.u32 s26, $0x1;
	_ =	strace $0x80000046;
	[dreg:$0x1] =	wrdreg $0xFFFFFFFF  }
0xad: {  	s28 =	simm.s32 $_size_execute0_lowered;
	s4 =	sadd.s32 s4, s6;
	[dreg:$0x0] =	wrdreg $0x0  }
0xae: {  	s6 =	sshll.u32 s28, $0x1;
	[dreg:$0x2] =	wrdreg s4  }
0xaf: {  	[dreg:$0x3] =	wrdreg s6  }
0xb0: {  	[dreg:$0x4] =	wrdreg $0xC0  }
0xb1: {  	_ =	task [dreg:s8], $0x5FFFF  }
0xb2: {  	[dreg:$0x1] =	wrdreg $0xFFFFFFFF  }
0xb3: {  	[dreg:$0x0] =	wrdreg $0x60  }
0xb4: {  	[dreg:$0x2] =	wrdreg s16  }
0xb5: {  	[dreg:$0x3] =	wrdreg s17  }
0xb6: {  	[dreg:$0x4] =	wrdreg s24  }
0xb7: {  	[dreg:$0x5] =	wrdreg $0x9  }
0xb8: {  	_ =	task.clear_ibuf [dreg:s8], $0x6FFFF;
	_ =	strace $0x90000046  }
0xb9: {  	s29 =	simm.s32 $0x9;
	_ =	strace $0x80000048  }
0xba: {  	_ =	swait.ge [sflag:s29], $0x1  }
0xbb: {  	[sflag:s29] =	ssyncadd.s32 $0xFFFFFFFF  }
0xbc: {  	_ =	strace $0x90000048  }
0xbd: {  	_ =	sfence  }
0xbe: {  	s30 =	sld [smem:$0x0];
	_ =	sdelay $0x2  }
0xbf: {  	s31 =	sshll.u32 s1, $0xD;
	s1 =	sshrl.u32 s1, $0x2  }
0xc0: {  	s3 =	sand.u32 $0x4000, s31;
	s1 =	sadd.s32 s1, s30  }
0xc1: {  	s0 =	sor.u32 s3, s0;
	s1 =	sshll.u32 s1, $0x11  }
0xc2: {  	s0 =	sor.u32 s1, s0  }
0xc3: {  	s0 =	sadd.s32 $0x8F2B, s0  }
0xc4: {  	[sflag:s0] =	ssyncadd.remote.s32 $0x1  }
0xc5: {  	_ =	sfence.sel $0xFFFF  }
0xc6: {  	[dreg:$0x0] =	wrdreg $0xFFFFFFFF;
	(pc) =	sbr.abs _section_cstart, $3  }
0xc7: {  	[dreg:$0x1] =	wrdreg $0xFFFFFFFF  }
0xc8: {  	_ =	task.clear_ibuf [dreg:s8], $0x2FFFF;
	_ =	strace $0x9FFFFFFF  }
0xc9: {  	(tm) =	ssettm $0x7FFFFFFF  }
tec
execute0_lowered:
.L_overlay_start_1:
0x0: {  	(tag) =	ssettag $0x1  }
0x1: {  	s1 =	rddreg [dreg:$0x0];
	s2 =	srdreg.scid  }
0x2: {  	s0 =	stileid.u32;
	s3 =	rddreg [dreg:$0x1]  }
0x3: {  	s7 =	rddreg [dreg:$0x2];
	s4 =	simm.s32 $0x0;
	s10 =	simm.s32 $0x5  }
0x4: {  	s11 =	simm.s32 $0x2780;
	s12 =	simm.s32 $0x50;
	s13 =	simm.s32 $0x4F00  }
0x5: {  	s14 =	simm.s32 $0x9F00;
	s6 =	sand.u32 $0x1, s2;
	s30 =	sshll.u32 s0, $0x1  }
0x6: {  	s15 =	simm.s32 $0x1;
	s16 =	simm.s32 $0x7700;
	s5 =	sor.u32 s6, s30  }
0x7: {  	s17 =	simm.s32 $0xC700;
	s18 =	simm.s32 $0x3;
	s5 =	smul.u32 $0x2710, s5  }
.Ltmp0:
0x8: {  	s19 =	simm.s32 $0x2;
	s2 =	rddreg [dreg:$0x3];
	(pc) =	sbr.rel .LBB2_1-.Ltmp0, $4  }
0x9: {  	s20 =	simm.s32 $0x0;
	[smem:$0x7FF] =	sst s4;
	s9 =	ssub.s32 $0x2, s6  }
0xa: {  	_ =	strace $0x80000047;
	s31 =	sshrl.u32 s9, $0x1;
	s8 =	sshrl.u32 s5, $0x3  }
0xb: {  	s6 =	sadd.s32 $0x16200, s7;
	s9 =	ssub.s32 s9, s31;
	s8 =	sadd.s32 s8, s7  }
0xc: {  	s9 =	smax.u32 s9, $0x1;
	s7 =	sadd.s32 $0xC400, s8;
	s8 =	sadd.s32 $0x2600, s8  }
.LBB2_12:
0xd: {  	s20 =	sadd.s32 $0x1, s20  }
0xe: {  	p0 =	sne.s32 s20, s9  }
.Ltmp1:
0xf: {  	_ = 	snop;
	(pc) =	sbr.rel @!p0 .LBB2_13-.Ltmp1, $4  }
0x10: {  	_ = 	snop  }
0x11: {  	_ =	swait.ge [sflag:s18], $0x2800  }
0x12: {  	[sflag:s18] =	ssyncset.done $0x0  }
0x13: {  	[sflag:s18] =	ssyncadd.s32 $0xFFFFD800  }
.LBB2_1:
0x14: {  	[tilespmem:s4], [sflag:$0x5] =	stream.linear.gather [hbm4b:s7+s4], $0x2710, $0x38;
	[tilespmem:$0xEF00] =	vst v63  }
0x15: {  	_ =	swait.ge [sflag:s10], $0x2710  }
0x16: {  	[sflag:s10] =	ssyncset.done $0x0  }
0x17: {  	[sflag:s10] =	ssyncadd.s32 $0xFFFFD8F0  }
0x18: {  	[tilespmem:s11], [sflag:$0x5] =	stream.linear.gather [hbm4b:s8+s4], $0x2710, $0x38;
	[tilespmem:$0xEF00] =	vst v63  }
0x19: {  	_ =	swait.ge [sflag:s10], $0x2710  }
.Ltmp2:
0x1a: {  	[sflag:s10] =	ssyncset.done $0x0;
	(pc) =	sbr.rel .LBB2_2-.Ltmp2, $4  }
0x1b: {  	[sflag:s10] =	ssyncadd.s32 $0xFFFFD8F0  }
0x1c: {  	[tilespmem:s13], [sflag:$0x1] =	stream.indirect.gather [hbm4b:s1+s12], $0x80, s4, s12, $0xb8;
	[tilespmem:$0xEF00] =	vst v63  }
0x1d: {  	s21 =	simm.s32 $0x0  }
0x1e: {  	[tilespmem:s14], [sflag:$0x1] =	stream.indirect.gather [hbm4b:s3+s12], $0x80, s11, s12, $0xb8;
	[tilespmem:$0xEF00] =	vst v63  }
.LBB2_11:
0x1f: {  	s21 =	sadd.s32 $0x1, s21  }
0x20: {  	p0 =	sne.s32 s21, $0x3F  }
.Ltmp3:
0x21: {  	_ = 	snop;
	(pc) =	sbr.rel @!p0 .LBB2_12-.Ltmp3, $1  }
0x22: {  	_ =	sdelay $0x3  }
.LBB2_2:
0x23: {  	p0 =	seq.s32 s21, $0x0  }
0x24: {  	s22 =	sshllo.u32 @!p0 s21, $0x1  }
0x25: {  	p1 =	sgt.u32 @!p0 s22, $0x7C  }
0x26: {  	p1 =	por p0, !p1  }
.Ltmp4:
0x27: {  	_ = 	snop;
	(pc) =	sbr.rel @!p1 .LBB2_3-.Ltmp4, $4  }
0x28: {  	s23 =	simm.s32 @!p0 $0x4  }
0x29: {  	_ =	swait.ge @!p0 [sflag:s23], $0x2800  }
0x2a: {  	[sflag:s23] =	ssyncset.done @!p0 $0x0  }
0x2b: {  	[sflag:s23] =	ssyncadd.s32 @!p0 $0xFFFFD800  }
0x2c: {  	s22 =	simm.s32 @p0 $0x1  }
0x2d: {  	s22 =	smul.u32 $0x50, s22  }
.Ltmp5:
0x2e: {  	_ = 	snop;
	(pc) =	sbr.rel .LBB2_5-.Ltmp5, $4  }
0x2f: {  	_ = 	snop  }
0x30: {  	[tilespmem:s16], [sflag:$0x2] =	stream.indirect.gather [hbm4b:s1+s12], $0x80, s22, s12, $0xb8;
	[tilespmem:$0xEF00] =	vst v63  }
0x31: {  	p0 =	por $0x1, $0x1;
	s23 =	sadd.s32 $0x2780, s22  }
0x32: {  	[tilespmem:s17], [sflag:$0x2] =	stream.indirect.gather [hbm4b:s3+s12], $0x80, s23, s12, $0xb8;
	[tilespmem:$0xEF00] =	vst v63  }
.LBB2_3:
0x33: {  	s22 =	simm.s32 @!p0 $0x2710;
	p0 =	por @!p0 $0x0, $0x0  }
.LBB2_5:
0x34: {  	_ =	swait.ge [sflag:s15], $0x2800  }
0x35: {  	[sflag:s15] =	ssyncset.done $0x0  }
0x36: {  	[sflag:s15] =	ssyncadd.s32 $0xFFFFD800  }
0x37: {  	_ =	swait.ge [sflag:s15], $0x2800  }
0x38: {  	[sflag:s15] =	ssyncset.done $0x0  }
0x39: {  	s23 =	simm.s32 $0x0;
	s24 =	simm.s32 $0x200;
	[sflag:s15] =	ssyncadd.s32 $0xFFFFD800  }
.LBB2_6:
0x3a: {  	p1 =	sne.s32 s24, $0x9E00;
	v0 =	vld [tilespmem:s23+$0x4F70]  }
0x3b: {  	v1 =	vld [tilespmem:s23+$0x4F00]  }
0x3c: {  	v2 =	vld [tilespmem:s23+$0x4F10]  }
0x3d: {  	v3 =	vld [tilespmem:s23+$0x4F20]  }
0x3e: {  	v4 =	vld [tilespmem:s23+$0x4F30]  }
0x3f: {  	[tilespmem:s23+$0x9F70] =	vst.add.f32.msk $0xffff, v0  }
0x40: {  	v0 =	vld [tilespmem:s23+$0x4F40]  }
0x41: {  	v5 =	vld [tilespmem:s23+$0x4F50]  }
0x42: {  	v6 =	vld [tilespmem:s23+$0x4F60]  }
0x43: {  	[tilespmem:s23+$0x9F00] =	vst.add.f32.msk $0xffff, v1  }
0x44: {  	[tilespmem:s23+$0x9F10] =	vst.add.f32.msk $0xffff, v2  }
.Ltmp6:
0x45: {  	[tilespmem:s23+$0x9F20] =	vst.add.f32.msk $0xffff, v3;
	(pc) =	sbr.rel @p1 .LBB2_6-.Ltmp6, $4  }
0x46: {  	[tilespmem:s23+$0x9F30] =	vst.add.f32.msk $0xffff, v4  }
0x47: {  	[tilespmem:s23+$0x9F40] =	vst.add.f32.msk $0xffff, v0  }
0x48: {  	[tilespmem:s23+$0x9F50] =	vst.add.f32.msk $0xffff, v5  }
0x49: {  	[tilespmem:s23+$0x9F60] =	vst.add.f32.msk $0xffff, v6;
	s23 =	sshra.s32 s24, $0x2;
	s24 =	sadd.s32 $0x200, s24  }
0x4a: {  	v0 =	vld [tilespmem:s23+$0x4F70]  }
0x4b: {  	v1 =	vld [tilespmem:s23+$0x4F00]  }
0x4c: {  	v2 =	vld [tilespmem:s23+$0x4F10]  }
0x4d: {  	v3 =	vld [tilespmem:s23+$0x4F20]  }
0x4e: {  	v4 =	vld [tilespmem:s23+$0x4F30]  }
0x4f: {  	v63 =	vld [tilespmem:s23+$0x4F40]  }
0x50: {  	v5 =	vld [tilespmem:s23+$0x4F50]  }
0x51: {  	v6 =	vld [tilespmem:s23+$0x4F60]  }
0x52: {  	[tilespmem:s23+$0x9F70] =	vst.add.f32.msk $0xffff, v0  }
0x53: {  	[tilespmem:s23+$0x9F00] =	vst.add.f32.msk $0xffff, v1  }
0x54: {  	[tilespmem:s23+$0x9F10] =	vst.add.f32.msk $0xffff, v2  }
0x55: {  	s24 =	smul.u32 $0xA0, s21;
	[tilespmem:s23+$0x9F20] =	vst.add.f32.msk $0xffff, v3  }
.Ltmp7:
0x56: {  	[tilespmem:s23+$0x9F30] =	vst.add.f32.msk $0xffff, v4;
	(pc) =	sbr.rel @!p0 .LBB2_11-.Ltmp7, $4  }
0x57: {  	s25 =	sadd.s32 s5, s24;
	[tilespmem:s23+$0x9F40] =	vst.add.f32.msk $0xffff, v63  }
0x58: {  	s25 =	sshll.u32 s25, $0x4;
	[tilespmem:s23+$0x9F50] =	vst.add.f32.msk $0xffff, v5  }
0x59: {  	s31 =	sadd.s32 s6, s25;
	[tilespmem:s23+$0x9F60] =	vst.add.f32.msk $0xffff, v6  }
0x5a: {  	[hbm4b:s31+s4] =	stream.linear.scatter [tilespmem:s14], [sflag:$0x3], $0x2800, $0x38;
	[tilespmem:$0xEF00] =	vst v63  }
0x5b: {  	_ =	swait.ge [sflag:s18], $0x2800;
	p0 =	seq.s32 s21, $0x3E  }
0x5c: {  	[sflag:s18] =	ssyncset.done $0x0;
	s23 =	sadd.s32 @!p0 $0xA0, s24  }
0x5d: {  	s25 =	simm.s32 @!p0 $0x50;
	s26 =	simm.s32 @!p0 $0x4F00;
	[sflag:s18] =	ssyncadd.s32 $0xFFFFD800  }
0x5e: {  	[tilespmem:s26], [sflag:$0x1] =	stream.indirect.gather @!p0 [hbm4b:s1+s25], $0x80, s23, s25, $0xb8;
	[tilespmem:$0xEF00] =	vst v63  }
0x5f: {  	s23 =	sadd.s32 @!p0 $0x2820, s24;
	s24 =	simm.s32 @!p0 $0x9F00  }
0x60: {  	[tilespmem:s24], [sflag:$0x1] =	stream.indirect.gather @!p0 [hbm4b:s3+s25], $0x80, s23, s25, $0xb8;
	[tilespmem:$0xEF00] =	vst v63  }
0x61: {  	_ =	swait.ge [sflag:s19], $0x2800  }
0x62: {  	[sflag:s19] =	ssyncset.done $0x0  }
0x63: {  	[sflag:s19] =	ssyncadd.s32 $0xFFFFD800  }
0x64: {  	_ =	swait.ge [sflag:s19], $0x2800  }
0x65: {  	[sflag:s19] =	ssyncset.done $0x0  }
0x66: {  	s23 =	simm.s32 $0x0;
	s24 =	simm.s32 $0x200;
	[sflag:s19] =	ssyncadd.s32 $0xFFFFD800  }
.LBB2_9:
0x67: {  	p0 =	sne.s32 s24, $0x9E00;
	v0 =	vld [tilespmem:s23+$0x7770]  }
0x68: {  	v1 =	vld [tilespmem:s23+$0x7700]  }
0x69: {  	v2 =	vld [tilespmem:s23+$0x7710]  }
0x6a: {  	v3 =	vld [tilespmem:s23+$0x7720]  }
0x6b: {  	v4 =	vld [tilespmem:s23+$0x7730]  }
0x6c: {  	[tilespmem:s23+$0xC770] =	vst.add.f32.msk $0xffff, v0  }
0x6d: {  	v0 =	vld [tilespmem:s23+$0x7740]  }
0x6e: {  	v5 =	vld [tilespmem:s23+$0x7750]  }
0x6f: {  	v6 =	vld [tilespmem:s23+$0x7760]  }
0x70: {  	[tilespmem:s23+$0xC700] =	vst.add.f32.msk $0xffff, v1  }
0x71: {  	[tilespmem:s23+$0xC710] =	vst.add.f32.msk $0xffff, v2  }
.Ltmp8:
0x72: {  	[tilespmem:s23+$0xC720] =	vst.add.f32.msk $0xffff, v3;
	(pc) =	sbr.rel @p0 .LBB2_9-.Ltmp8, $4  }
0x73: {  	[tilespmem:s23+$0xC730] =	vst.add.f32.msk $0xffff, v4  }
0x74: {  	[tilespmem:s23+$0xC740] =	vst.add.f32.msk $0xffff, v0  }
0x75: {  	[tilespmem:s23+$0xC750] =	vst.add.f32.msk $0xffff, v5  }
0x76: {  	[tilespmem:s23+$0xC760] =	vst.add.f32.msk $0xffff, v6;
	s23 =	sshra.s32 s24, $0x2;
	s24 =	sadd.s32 $0x200, s24  }
0x77: {  	v0 =	vld [tilespmem:s23+$0x7770]  }
0x78: {  	v1 =	vld [tilespmem:s23+$0x7700]  }
0x79: {  	v2 =	vld [tilespmem:s23+$0x7710]  }
0x7a: {  	v3 =	vld [tilespmem:s23+$0x7720]  }
0x7b: {  	v4 =	vld [tilespmem:s23+$0x7730]  }
0x7c: {  	v63 =	vld [tilespmem:s23+$0x7740]  }
0x7d: {  	v5 =	vld [tilespmem:s23+$0x7750]  }
0x7e: {  	v6 =	vld [tilespmem:s23+$0x7760]  }
0x7f: {  	[tilespmem:s23+$0xC770] =	vst.add.f32.msk $0xffff, v0  }
0x80: {  	[tilespmem:s23+$0xC700] =	vst.add.f32.msk $0xffff, v1  }
0x81: {  	[tilespmem:s23+$0xC710] =	vst.add.f32.msk $0xffff, v2  }
0x82: {  	[tilespmem:s23+$0xC720] =	vst.add.f32.msk $0xffff, v3  }
.Ltmp9:
0x83: {  	[tilespmem:s23+$0xC730] =	vst.add.f32.msk $0xffff, v4;
	(pc) =	sbr.rel .LBB2_11-.Ltmp9, $4  }
0x84: {  	s22 =	sadd.s32 s5, s22;
	[tilespmem:s23+$0xC740] =	vst.add.f32.msk $0xffff, v63  }
0x85: {  	s22 =	sshll.u32 s22, $0x4;
	[tilespmem:s23+$0xC750] =	vst.add.f32.msk $0xffff, v5  }
0x86: {  	s22 =	sadd.s32 s6, s22;
	[tilespmem:s23+$0xC760] =	vst.add.f32.msk $0xffff, v6  }
0x87: {  	[hbm4b:s22+s4] =	stream.linear.scatter [tilespmem:s17], [sflag:$0x4], $0x2800, $0x38;
	[tilespmem:$0xEF00] =	vst v63  }
.LBB2_13:
0x88: {  	_ =	sfence.sel $0x180000  }
0x89: {  	[bflag:$0x0] =	sbarrier.arrive $0xFFFF  }
0x8a: {  	p0 =	sne.s32 s0, $0x0;
	_ =	strace $0x90000047  }
0x8b: {  	s0 =	sadd.s32 @!p0 $0x100000, s2;
	[bflag:$0x2] =	sbarrier.arrive $0xFFFF  }
0x8c: {  	[sflag:s0] =	ssyncadd.tile.s32 @!p0 $0x1;
	_ =	shalt  }
.Lfunc_end2:
_tile_overlayer_lowered:
.L_overlay_start_2:
0x8d: {  	(tag) =	ssettag $0x2  }
0x8e: {  	s0 =	rddreg [dreg:$0x0];
	s2 =	stileid.u32  }
0x8f: {  	s1 =	rddreg [dreg:$0x1];
	p0 =	sne.s32 s2, $0x0  }
0x90: {  	s3 =	rddreg [dreg:$0x2];
	[bflag:$0x3] =	sbarrier.arrive $0xFFFF;
	s2 =	simm.s32 @!p0 $0x1C05  }
0x91: {  	[timem:s3], [sflag:s2] =	dma.local @!p0 [hbm:s0], s1  }
0x92: {  	s0 =	simm.s32 @!p0 $0x5  }
0x93: {  	_ =	swait.ge @!p0 [sflag:s0], s1  }
0x94: {  	s1 =	ssub.s32 @!p0 $0x0, s1;
	[sflag:s0] =	ssyncset.done @!p0 $0x0  }
0x95: {  	[sflag:s0] =	ssyncadd.s32 @!p0 s1  }
0x96: {  	[bflag:$0x3] =	sbarrier.arrive $0xFFFF  }
0x97: {  	_ =	shalt  }

</sc_bundles>
